<compile_context>
chip_gen: v7x
topology: tpu7x:2x2x1
jax: 0.10.2.dev20260603
libtpu: 0.0.44.dev20260713+nightly
codegen_flags: <defaults>
</compile_context>

<pallas_src>
import functools

import jax
import jax.numpy as jnp
from jax import lax
from jax.experimental import pallas as pl
from jax.experimental.pallas import tpu as pltpu
from jax.experimental.pallas import tpu_sc as plsc

_Q = 20000
_C = 91
_D = 256
_K = 100
_KPAD = 128
_G = 50
_W = 400


def _select_body(logit_ref, box_ref, mot_ref, trk_ref, ts_ref,
                 scores_ref, labels_ref, grows_ref, boxes_ref, motout_ref,
                 trkout_ref, vals_ref, gmax_ref, cand_ref, rowcol_ref,
                 cbox_ref, cmot_ref, ctrk_ref):
    big = jnp.int32(2**30)
    neg = -jnp.inf

    for j in range(_G):
        rm = jnp.max(logit_ref[pl.ds(j * _W, _W), :], axis=1,
                     keepdims=True)
        vals_ref[pl.ds(j, 1), :] = rm.reshape(1, _W)

    gmax_ref[...] = jnp.max(vals_ref[...], axis=1, keepdims=True)
    cand_ref[...] = jnp.full((_KPAD, _C), neg, jnp.float32)
    rowcol_ref[...] = jnp.zeros((_KPAD, 1), jnp.int32)

    subl = lax.broadcasted_iota(jnp.int32, (_G, 1), 0)
    lanew = lax.broadcasted_iota(jnp.int32, (1, _W), 1)

    def pick(k, carry):
        m = jnp.max(gmax_ref[...])
        g = jnp.min(jnp.where(gmax_ref[...] == m, subl, big))
        row = vals_ref[pl.ds(g, 1), :]
        l = jnp.min(jnp.where(row == m, lanew, big))
        r = g * _W + l
        cand_ref[pl.ds(k, 1), :] = logit_ref[pl.ds(r, 1), :]
        rowcol_ref[pl.ds(k, 1), :] = jnp.full((1, 1), r, jnp.int32)
        row2 = jnp.where(lanew == l, neg, row)
        vals_ref[pl.ds(g, 1), :] = row2
        gmax_ref[pl.ds(g, 1), :] = jnp.max(row2, axis=1, keepdims=True)
        return carry

    lax.fori_loop(0, _K, pick, 0)

    col = lax.broadcasted_iota(jnp.int32, (_KPAD, _C), 1)
    flat = rowcol_ref[...] * _C + col
    lane = lax.broadcasted_iota(jnp.int32, (1, 128), 1)

    def body(k, carry):
        vals, vsel, fsel = carry
        m = jnp.max(vals)
        f = jnp.min(jnp.where(vals == m, flat, big))
        r2 = f // _C
        cbox_ref[pl.ds(k, 1), :] = box_ref[pl.ds(r2, 1), :]
        cmot_ref[pl.ds(k, 1), :] = mot_ref[pl.ds(r2, 1), :]
        ctrk_ref[pl.ds(k, 1), :] = trk_ref[pl.ds(r2, 1), :]
        vsel = jnp.where(lane == k, m, vsel)
        fsel = jnp.where(lane == k, f, fsel)
        vals = jnp.where(flat == f, neg, vals)
        return vals, vsel, fsel

    _, vsel, fsel = lax.fori_loop(
        0, _K, body,
        (cand_ref[...], jnp.zeros((1, 128), jnp.float32),
         jnp.zeros((1, 128), jnp.int32)))

    scores_ref[...] = jax.nn.sigmoid(vsel)
    labels_ref[...] = fsel % _C
    grows_ref[...] = jnp.where(lane < _K, fsel // _C, 0)

    ih = ts_ref[0]
    iw = ts_ref[1]
    cx = cbox_ref[:, 0:1]
    cy = cbox_ref[:, 1:2]
    w = cbox_ref[:, 2:3]
    h = cbox_ref[:, 3:4]
    boxes_ref[...] = jnp.concatenate(
        [(cx - 0.5 * w) * iw, (cy - 0.5 * h) * ih,
         (cx + 0.5 * w) * iw, (cy + 0.5 * h) * ih], axis=1)
    motout_ref[...] = jnp.concatenate(
        [cmot_ref[:, 0:1] * iw, cmot_ref[:, 1:2] * ih], axis=1)
    trkout_ref[...] = ctrk_ref[...]


def _select(logits2d, box2d, mot2d, trk2d, ts):
    return pl.pallas_call(
        _select_body,
        in_specs=[
            pl.BlockSpec((_Q, _C), lambda: (0, 0)),
            pl.BlockSpec((_Q, 4), lambda: (0, 0)),
            pl.BlockSpec((_Q, 2), lambda: (0, 0)),
            pl.BlockSpec((_Q, 1), lambda: (0, 0)),
            pl.BlockSpec(memory_space=pltpu.SMEM),
        ],
        out_shape=[
            jax.ShapeDtypeStruct((1, 128), jnp.float32),
            jax.ShapeDtypeStruct((1, 128), jnp.int32),
            jax.ShapeDtypeStruct((1, 128), jnp.int32),
            jax.ShapeDtypeStruct((_KPAD, 4), jnp.float32),
            jax.ShapeDtypeStruct((_KPAD, 2), jnp.float32),
            jax.ShapeDtypeStruct((_KPAD, 1), jnp.int32),
        ],
        scratch_shapes=[
            pltpu.VMEM((_G, _W), jnp.float32),
            pltpu.VMEM((_G, 1), jnp.float32),
            pltpu.VMEM((_KPAD, _C), jnp.float32),
            pltpu.VMEM((_KPAD, 1), jnp.int32),
            pltpu.VMEM((_KPAD, 4), jnp.float32),
            pltpu.VMEM((_KPAD, 2), jnp.float32),
            pltpu.VMEM((_KPAD, 1), jnp.int32),
        ],
    )(logits2d, box2d, mot2d, trk2d, ts)


_RPW = 16


def _sc_gather_body(rows_hbm, id_hbm, out_id, idx_v, idbuf, sem):
    wid = lax.axis_index("s") * 2 + lax.axis_index("c")

    @pl.when(wid < 8)
    def _():
        base = wid * _RPW
        pltpu.sync_copy(rows_hbm.at[pl.ds(base, _RPW)], idx_v)
        pltpu.async_copy(id_hbm.at[idx_v], idbuf, sem).wait()
        pltpu.sync_copy(idbuf, out_id.at[pl.ds(base, _RPW)])


def _sc_gather(rows128, id2d):
    mesh = plsc.VectorSubcoreMesh(core_axis_name="c", subcore_axis_name="s")
    kfn = functools.partial(
        pl.kernel,
        mesh=mesh,
        out_type=jax.ShapeDtypeStruct((_KPAD, _D), jnp.float32),
        scratch_types=[
            pltpu.VMEM((_RPW,), jnp.int32),
            pltpu.VMEM((_RPW, _D), jnp.float32),
            pltpu.SemaphoreType.DMA,
        ],
    )(_sc_gather_body)
    return kfn(rows128, id2d)


def kernel(pred_logits, pred_boxes, id_features, motions, target_sizes,
           track_idx):
    B, Q, C = pred_logits.shape
    D = id_features.shape[-1]

    scores_p, labels_p, grows_p, boxes_p, mot_p, trk_p = _select(
        pred_logits.reshape(Q, C), pred_boxes.reshape(Q, 4),
        motions.reshape(Q, 2), track_idx.reshape(Q, 1),
        target_sizes.reshape(2))
    grows = grows_p.reshape(128)

    id_g = _sc_gather(grows, id_features.reshape(Q, D))

    scores = scores_p[:, :_K]
    labels = labels_p[:, :_K]
    boxes = boxes_p[None, :_K, :]
    id_out = id_g[:_K]
    mot_out = mot_p[:_K]
    trk_out = trk_p[:_K, 0]
    return scores, labels, boxes, id_out, mot_out, trk_out

# --- scband reference (transcript-rebuilt; emitter-appended) ---
"""Pipeline reference for scband-post-process-5050881540327 (READ-ONLY COPY).

The authoritative reference and input builder live on the scoring server;
editing this copy changes nothing except your own understanding.
"""

import jax, jax.numpy as jnp
import numpy as np


def box_cxcywh_to_xyxy(b):
    cx, cy, w, h = b[..., 0], b[..., 1], b[..., 2], b[..., 3]
    return jnp.stack([cx - 0.5 * w, cy - 0.5 * h, cx + 0.5 * w, cy + 0.5 * h], axis=-1)


def setup_inputs(seed: int = 0):
    key = jax.random.key(seed)
    k1, k2, k3, k4, k5 = jax.random.split(key, 5)
    B, Q, C, D = 1, 20000, 91, 256
    return {
        "pred_logits": jax.random.normal(k1, (B, Q, C), dtype=jnp.float32),
        "pred_boxes": jax.random.uniform(k2, (B, Q, 4), dtype=jnp.float32),
        "id_features": jax.random.normal(k3, (B, Q, D), dtype=jnp.float32),
        "motions": jax.random.normal(k4, (B, Q, 2), dtype=jnp.float32),
        "target_sizes": jax.random.uniform(k5, (B, 2), dtype=jnp.float32) * 1000.0 + 200.0,
        "track_idx": jnp.zeros((Q,), dtype=jnp.int32) - 1,
    }


def reference(pred_logits, pred_boxes, id_features, motions, target_sizes, track_idx):
    B, Q, C = pred_logits.shape
    prob = jax.nn.sigmoid(pred_logits)
    topk_values, topk_indexes = jax.lax.top_k(prob.reshape(B, -1), 100)
    scores = topk_values
    topk_boxes = topk_indexes // C
    labels = topk_indexes % C
    boxes = box_cxcywh_to_xyxy(pred_boxes)
    gather_idx = jnp.broadcast_to(topk_boxes[..., None], (B, 100, 4))
    boxes = jnp.take_along_axis(boxes, gather_idx, axis=1)
    img_h = target_sizes[:, 0]
    img_w = target_sizes[:, 1]
    scale_fct = jnp.stack([img_w, img_h, img_w, img_h], axis=1)
    boxes = boxes * scale_fct[:, None, :]
    motions_s = motions * scale_fct[:, None, :2]
    idx0 = topk_boxes[0]
    id_out = id_features.reshape(-1, id_features.shape[-1])[idx0]
    mot_out = motions_s.reshape(-1, motions_s.shape[-1])[idx0]
    trk_out = track_idx[idx0]
    return scores, labels, boxes, id_out, mot_out, trk_out

if __name__ == "__main__":
    import jax
    _d = setup_inputs()
    print(jax.jit(kernel)(*tuple(_d.values())))

</pallas_src>

<mosaic_0001>
#map = affine_map<(d0, d1) -> (0)>
#map1 = affine_map<(d0, d1) -> (0, 0)>
module attributes {stable_mosaic.version = 14 : i64} {
  func.func @_sc_gather_body(%arg0: i32, %arg1: i32, %arg2: memref<128xi32, #tpu.memory_space<hbm>>, %arg3: memref<20000x256xf32, #tpu.memory_space<hbm>>, %arg4: memref<128x256xf32, #tpu.memory_space<hbm>>, %arg5: memref<16xi32, #tpu.memory_space<vmem>>, %arg6: memref<16x256xf32, #tpu.memory_space<vmem>>, %arg7: memref<!tpu.dma_semaphore, #tpu.memory_space<semaphore_mem>>) attributes {dimension_semantics = [#tpu.dimension_semantics<core_parallel>, #tpu.dimension_semantics<subcore_parallel>], iteration_bounds = array<i64: 2, 16>, scalar_prefetch = 0 : i64, scratch_operands = 3 : i64, tpu.core_type = #tpu.core_type<sc_vector_subcore>, window_params = [{transform_indices = #map}, {transform_indices = #map1}, {transform_indices = #map1}]} {
    %mul3A = arith.constant 2 : i32
    %mul3A_0 = arith.muli %arg1, %mul3A : i32
    %add3A = arith.addi %mul3A_0, %arg0 : i32
    %lt3A = arith.constant 8 : i32
    %lt3A_1 = arith.cmpi slt, %add3A, %lt3A : i32
    %convert_element_type3A = arith.extui %lt3A_1 : i1 to i32
    %cond3A = arith.constant 0 : i32
    %cond3A_2 = arith.cmpi ne, %convert_element_type3A, %cond3A : i32
    scf.if %cond3A_2 {
      %mul3A_3 = arith.constant 16 : i32
      %mul3A_4 = arith.muli %add3A, %mul3A_3 : i32
      "tpu.region"() ({
        %run_scoped3A = tpu.sem_alloc : memref<!tpu.dma_semaphore, #tpu.memory_space<semaphore_mem>>
        %dma_start3A_9 = tpu.memref_slice %arg2[%mul3A_4] : memref<128xi32, #tpu.memory_space<hbm>> -> memref<16xi32, #tpu.memory_space<hbm>>
        %dma_start3A_10 = tpu.memref_slice %arg2[%mul3A_4] : memref<128xi32, #tpu.memory_space<hbm>> -> memref<16xi32, #tpu.memory_space<hbm>>
        tpu.enqueue_dma source(%dma_start3A_10 : memref<16xi32, #tpu.memory_space<hbm>>) target(%arg5 : memref<16xi32, #tpu.memory_space<vmem>>) target_semaphore(%run_scoped3A : memref<!tpu.dma_semaphore, #tpu.memory_space<semaphore_mem>>)
        %dma_wait3A_11 = tpu.memref_slice %arg2[%mul3A_4] : memref<128xi32, #tpu.memory_space<hbm>> -> memref<16xi32, #tpu.memory_space<hbm>>
        %dma_wait3A_12 = tpu.memref_slice %arg2[%mul3A_4] : memref<128xi32, #tpu.memory_space<hbm>> -> memref<16xi32, #tpu.memory_space<hbm>>
        tpu.wait_dma2 semaphore(%run_scoped3A : memref<!tpu.dma_semaphore, #tpu.memory_space<semaphore_mem>>) src(%dma_wait3A_12 : memref<16xi32, #tpu.memory_space<hbm>>) dst(%arg5 : memref<16xi32, #tpu.memory_space<vmem>>)
        tpu.yield
      }) : () -> ()
      %dma_start3A = arith.constant 0 : i32
      %dma_start3A_5 = arith.constant 0 : i32
      %dma_start3A_6 = tpu.memref_slice %arg3[%dma_start3A, %dma_start3A_5] : memref<20000x256xf32, #tpu.memory_space<hbm>> -> memref<20000x256xf32, #tpu.memory_space<hbm>>
      tpu.enqueue_indirect_dma source(%dma_start3A_6 : memref<20000x256xf32, #tpu.memory_space<hbm>>) target(%arg6 : memref<16x256xf32, #tpu.memory_space<vmem>>) offsets(%arg5 : memref<16xi32, #tpu.memory_space<vmem>>) semaphore(%arg7 : memref<!tpu.dma_semaphore, #tpu.memory_space<semaphore_mem>>)
      %dma_wait3A = arith.constant 0 : i32
      %dma_wait3A_7 = arith.constant 0 : i32
      %dma_wait3A_8 = tpu.memref_slice %arg3[%dma_wait3A, %dma_wait3A_7] : memref<20000x256xf32, #tpu.memory_space<hbm>> -> memref<20000x256xf32, #tpu.memory_space<hbm>>
      tpu.wait_indirect_dma semaphore(%arg7 : memref<!tpu.dma_semaphore, #tpu.memory_space<semaphore_mem>>) src(%dma_wait3A_8 : memref<20000x256xf32, #tpu.memory_space<hbm>>) dst(%arg6 : memref<16x256xf32, #tpu.memory_space<vmem>>)
      "tpu.region"() ({
        %run_scoped3A = tpu.sem_alloc : memref<!tpu.dma_semaphore, #tpu.memory_space<semaphore_mem>>
        %dma_start3A_9 = arith.constant 0 : i32
        %dma_start3A_10 = tpu.memref_slice %arg4[%mul3A_4, %dma_start3A_9] : memref<128x256xf32, #tpu.memory_space<hbm>> -> memref<16x256xf32, #tpu.memory_space<hbm>>
        %dma_start3A_11 = arith.constant 0 : i32
        %dma_start3A_12 = tpu.memref_slice %arg4[%mul3A_4, %dma_start3A_11] : memref<128x256xf32, #tpu.memory_space<hbm>> -> memref<16x256xf32, #tpu.memory_space<hbm>>
        tpu.enqueue_dma source(%arg6 : memref<16x256xf32, #tpu.memory_space<vmem>>) target(%dma_start3A_12 : memref<16x256xf32, #tpu.memory_space<hbm>>) target_semaphore(%run_scoped3A : memref<!tpu.dma_semaphore, #tpu.memory_space<semaphore_mem>>)
        %dma_wait3A_13 = arith.constant 0 : i32
        %dma_wait3A_14 = tpu.memref_slice %arg4[%mul3A_4, %dma_wait3A_13] : memref<128x256xf32, #tpu.memory_space<hbm>> -> memref<16x256xf32, #tpu.memory_space<hbm>>
        %dma_wait3A_15 = arith.constant 0 : i32
        %dma_wait3A_16 = tpu.memref_slice %arg4[%mul3A_4, %dma_wait3A_15] : memref<128x256xf32, #tpu.memory_space<hbm>> -> memref<16x256xf32, #tpu.memory_space<hbm>>
        tpu.wait_dma2 semaphore(%run_scoped3A : memref<!tpu.dma_semaphore, #tpu.memory_space<semaphore_mem>>) src(%arg6 : memref<16x256xf32, #tpu.memory_space<vmem>>) dst(%dma_wait3A_16 : memref<16x256xf32, #tpu.memory_space<hbm>>)
        tpu.yield
      }) : () -> ()
    } else {
    }
    return
  }
}

module attributes {stable_mosaic.version = 14 : i64} {
  func.func @_select_body(%arg0: memref<20000x91xf32, #tpu.memory_space<vmem>>, %arg1: memref<20000x4xf32, #tpu.memory_space<vmem>>, %arg2: memref<20000x2xf32, #tpu.memory_space<vmem>>, %arg3: memref<20000x1xi32, #tpu.memory_space<vmem>>, %arg4: memref<2xf32, #tpu.memory_space<smem>>, %arg5: memref<1x128xf32, #tpu.memory_space<vmem>>, %arg6: memref<1x128xi32, #tpu.memory_space<vmem>>, %arg7: memref<1x128xi32, #tpu.memory_space<vmem>>, %arg8: memref<128x4xf32, #tpu.memory_space<vmem>>, %arg9: memref<128x2xf32, #tpu.memory_space<vmem>>, %arg10: memref<128x1xi32, #tpu.memory_space<vmem>>, %arg11: memref<50x400xf32, #tpu.memory_space<vmem>>, %arg12: memref<50x1xf32, #tpu.memory_space<vmem>>, %arg13: memref<128x91xf32, #tpu.memory_space<vmem>>, %arg14: memref<128x1xi32, #tpu.memory_space<vmem>>, %arg15: memref<128x4xf32, #tpu.memory_space<vmem>>, %arg16: memref<128x2xf32, #tpu.memory_space<vmem>>, %arg17: memref<128x1xi32, #tpu.memory_space<vmem>>) attributes {dimension_semantics = [], scalar_prefetch = 0 : i64, scratch_operands = 7 : i64, tpu.core_type = #tpu.core_type<tc>} {
    %get3A = arith.constant 0 : index
    %get3A_0 = arith.constant 0 : index
    %get3A_1 = vector.load %arg0[%get3A, %get3A_0] : memref<20000x91xf32, #tpu.memory_space<vmem>>, vector<400x91xf32>
    %reduce_max3A = arith.constant dense<0xFF800000> : vector<400xf32>
    %reduce_max3A_2 = vector.multi_reduction <maximumf>, %get3A_1, %reduce_max3A [1] : vector<400x91xf32> to vector<400xf32>
    %broadcast_in_dim3A = vector.shape_cast %reduce_max3A_2 : vector<400xf32> to vector<400x1xf32>
    %reshape3A = vector.shape_cast %broadcast_in_dim3A : vector<400x1xf32> to vector<1x400xf32>
    %swap3A = arith.constant 0 : index
    %swap3A_3 = arith.constant 0 : index
    %swap3A_4 = vector.load %arg11[%swap3A, %swap3A_3] : memref<50x400xf32, #tpu.memory_space<vmem>>, vector<1x400xf32>
    tpu.vector_store %arg11[%swap3A, %swap3A_3], %reshape3A {strides = array<i32>} : memref<50x400xf32, #tpu.memory_space<vmem>>, vector<1x400xf32>,
    %get3A_5 = arith.constant 400 : index
    %get3A_6 = arith.constant 0 : index
    %get3A_7 = vector.load %arg0[%get3A_5, %get3A_6] : memref<20000x91xf32, #tpu.memory_space<vmem>>, vector<400x91xf32>
    %reduce_max3A_8 = arith.constant dense<0xFF800000> : vector<400xf32>
    %reduce_max3A_9 = vector.multi_reduction <maximumf>, %get3A_7, %reduce_max3A_8 [1] : vector<400x91xf32> to vector<400xf32>
    %broadcast_in_dim3A_10 = vector.shape_cast %reduce_max3A_9 : vector<400xf32> to vector<400x1xf32>
    %reshape3A_11 = vector.shape_cast %broadcast_in_dim3A_10 : vector<400x1xf32> to vector<1x400xf32>
    %swap3A_12 = arith.constant 1 : index
    %swap3A_13 = arith.constant 0 : index
    %swap3A_14 = vector.load %arg11[%swap3A_12, %swap3A_13] : memref<50x400xf32, #tpu.memory_space<vmem>>, vector<1x400xf32>
    tpu.vector_store %arg11[%swap3A_12, %swap3A_13], %reshape3A_11 {strides = array<i32>} : memref<50x400xf32, #tpu.memory_space<vmem>>, vector<1x400xf32>,
    %get3A_15 = arith.constant 800 : index
    %get3A_16 = arith.constant 0 : index
    %get3A_17 = vector.load %arg0[%get3A_15, %get3A_16] : memref<20000x91xf32, #tpu.memory_space<vmem>>, vector<400x91xf32>
    %reduce_max3A_18 = arith.constant dense<0xFF800000> : vector<400xf32>
    %reduce_max3A_19 = vector.multi_reduction <maximumf>, %get3A_17, %reduce_max3A_18 [1] : vector<400x91xf32> to vector<400xf32>
    %broadcast_in_dim3A_20 = vector.shape_cast %reduce_max3A_19 : vector<400xf32> to vector<400x1xf32>
    %reshape3A_21 = vector.shape_cast %broadcast_in_dim3A_20 : vector<400x1xf32> to vector<1x400xf32>
    %swap3A_22 = arith.constant 2 : index
    %swap3A_23 = arith.constant 0 : index
    %swap3A_24 = vector.load %arg11[%swap3A_22, %swap3A_23] : memref<50x400xf32, #tpu.memory_space<vmem>>, vector<1x400xf32>
    tpu.vector_store %arg11[%swap3A_22, %swap3A_23], %reshape3A_21 {strides = array<i32>} : memref<50x400xf32, #tpu.memory_space<vmem>>, vector<1x400xf32>,
    %get3A_25 = arith.constant 1200 : index
    %get3A_26 = arith.constant 0 : index
    %get3A_27 = vector.load %arg0[%get3A_25, %get3A_26] : memref<20000x91xf32, #tpu.memory_space<vmem>>, vector<400x91xf32>
    %reduce_max3A_28 = arith.constant dense<0xFF800000> : vector<400xf32>
    %reduce_max3A_29 = vector.multi_reduction <maximumf>, %get3A_27, %reduce_max3A_28 [1] : vector<400x91xf32> to vector<400xf32>
    %broadcast_in_dim3A_30 = vector.shape_cast %reduce_max3A_29 : vector<400xf32> to vector<400x1xf32>
    %reshape3A_31 = vector.shape_cast %broadcast_in_dim3A_30 : vector<400x1xf32> to vector<1x400xf32>
    %swap3A_32 = arith.constant 3 : index
    %swap3A_33 = arith.constant 0 : index
    %swap3A_34 = vector.load %arg11[%swap3A_32, %swap3A_33] : memref<50x400xf32, #tpu.memory_space<vmem>>, vector<1x400xf32>
    tpu.vector_store %arg11[%swap3A_32, %swap3A_33], %reshape3A_31 {strides = array<i32>} : memref<50x400xf32, #tpu.memory_space<vmem>>, vector<1x400xf32>,
    %get3A_35 = arith.constant 1600 : index
    %get3A_36 = arith.constant 0 : index
    %get3A_37 = vector.load %arg0[%get3A_35, %get3A_36] : memref<20000x91xf32, #tpu.memory_space<vmem>>, vector<400x91xf32>
    %reduce_max3A_38 = arith.constant dense<0xFF800000> : vector<400xf32>
    %reduce_max3A_39 = vector.multi_reduction <maximumf>, %get3A_37, %reduce_max3A_38 [1] : vector<400x91xf32> to vector<400xf32>
    %broadcast_in_dim3A_40 = vector.shape_cast %reduce_max3A_39 : vector<400xf32> to vector<400x1xf32>
    %reshape3A_41 = vector.shape_cast %broadcast_in_dim3A_40 : vector<400x1xf32> to vector<1x400xf32>
    %swap3A_42 = arith.constant 4 : index
    %swap3A_43 = arith.constant 0 : index
    %swap3A_44 = vector.load %arg11[%swap3A_42, %swap3A_43] : memref<50x400xf32, #tpu.memory_space<vmem>>, vector<1x400xf32>
    tpu.vector_store %arg11[%swap3A_42, %swap3A_43], %reshape3A_41 {strides = array<i32>} : memref<50x400xf32, #tpu.memory_space<vmem>>, vector<1x400xf32>,
    %get3A_45 = arith.constant 2000 : index
    %get3A_46 = arith.constant 0 : index
    %get3A_47 = vector.load %arg0[%get3A_45, %get3A_46] : memref<20000x91xf32, #tpu.memory_space<vmem>>, vector<400x91xf32>
    %reduce_max3A_48 = arith.constant dense<0xFF800000> : vector<400xf32>
    %reduce_max3A_49 = vector.multi_reduction <maximumf>, %get3A_47, %reduce_max3A_48 [1] : vector<400x91xf32> to vector<400xf32>
    %broadcast_in_dim3A_50 = vector.shape_cast %reduce_max3A_49 : vector<400xf32> to vector<400x1xf32>
    %reshape3A_51 = vector.shape_cast %broadcast_in_dim3A_50 : vector<400x1xf32> to vector<1x400xf32>
    %swap3A_52 = arith.constant 5 : index
    %swap3A_53 = arith.constant 0 : index
    %swap3A_54 = vector.load %arg11[%swap3A_52, %swap3A_53] : memref<50x400xf32, #tpu.memory_space<vmem>>, vector<1x400xf32>
    tpu.vector_store %arg11[%swap3A_52, %swap3A_53], %reshape3A_51 {strides = array<i32>} : memref<50x400xf32, #tpu.memory_space<vmem>>, vector<1x400xf32>,
    %get3A_55 = arith.constant 2400 : index
    %get3A_56 = arith.constant 0 : index
    %get3A_57 = vector.load %arg0[%get3A_55, %get3A_56] : memref<20000x91xf32, #tpu.memory_space<vmem>>, vector<400x91xf32>
    %reduce_max3A_58 = arith.constant dense<0xFF800000> : vector<400xf32>
    %reduce_max3A_59 = vector.multi_reduction <maximumf>, %get3A_57, %reduce_max3A_58 [1] : vector<400x91xf32> to vector<400xf32>
    %broadcast_in_dim3A_60 = vector.shape_cast %reduce_max3A_59 : vector<400xf32> to vector<400x1xf32>
    %reshape3A_61 = vector.shape_cast %broadcast_in_dim3A_60 : vector<400x1xf32> to vector<1x400xf32>
    %swap3A_62 = arith.constant 6 : index
    %swap3A_63 = arith.constant 0 : index
    %swap3A_64 = vector.load %arg11[%swap3A_62, %swap3A_63] : memref<50x400xf32, #tpu.memory_space<vmem>>, vector<1x400xf32>
    tpu.vector_store %arg11[%swap3A_62, %swap3A_63], %reshape3A_61 {strides = array<i32>} : memref<50x400xf32, #tpu.memory_space<vmem>>, vector<1x400xf32>,
    %get3A_65 = arith.constant 2800 : index
    %get3A_66 = arith.constant 0 : index
    %get3A_67 = vector.load %arg0[%get3A_65, %get3A_66] : memref<20000x91xf32, #tpu.memory_space<vmem>>, vector<400x91xf32>
    %reduce_max3A_68 = arith.constant dense<0xFF800000> : vector<400xf32>
    %reduce_max3A_69 = vector.multi_reduction <maximumf>, %get3A_67, %reduce_max3A_68 [1] : vector<400x91xf32> to vector<400xf32>
    %broadcast_in_dim3A_70 = vector.shape_cast %reduce_max3A_69 : vector<400xf32> to vector<400x1xf32>
    %reshape3A_71 = vector.shape_cast %broadcast_in_dim3A_70 : vector<400x1xf32> to vector<1x400xf32>
    %swap3A_72 = arith.constant 7 : index
    %swap3A_73 = arith.constant 0 : index
    %swap3A_74 = vector.load %arg11[%swap3A_72, %swap3A_73] : memref<50x400xf32, #tpu.memory_space<vmem>>, vector<1x400xf32>
    tpu.vector_store %arg11[%swap3A_72, %swap3A_73], %reshape3A_71 {strides = array<i32>} : memref<50x400xf32, #tpu.memory_space<vmem>>, vector<1x400xf32>,
    %get3A_75 = arith.constant 3200 : index
    %get3A_76 = arith.constant 0 : index
    %get3A_77 = vector.load %arg0[%get3A_75, %get3A_76] : memref<20000x91xf32, #tpu.memory_space<vmem>>, vector<400x91xf32>
    %reduce_max3A_78 = arith.constant dense<0xFF800000> : vector<400xf32>
    %reduce_max3A_79 = vector.multi_reduction <maximumf>, %get3A_77, %reduce_max3A_78 [1] : vector<400x91xf32> to vector<400xf32>
    %broadcast_in_dim3A_80 = vector.shape_cast %reduce_max3A_79 : vector<400xf32> to vector<400x1xf32>
    %reshape3A_81 = vector.shape_cast %broadcast_in_dim3A_80 : vector<400x1xf32> to vector<1x400xf32>
    %swap3A_82 = arith.constant 8 : index
    %swap3A_83 = arith.constant 0 : index
    %swap3A_84 = vector.load %arg11[%swap3A_82, %swap3A_83] : memref<50x400xf32, #tpu.memory_space<vmem>>, vector<1x400xf32>
    tpu.vector_store %arg11[%swap3A_82, %swap3A_83], %reshape3A_81 {strides = array<i32>} : memref<50x400xf32, #tpu.memory_space<vmem>>, vector<1x400xf32>,
    %get3A_85 = arith.constant 3600 : index
    %get3A_86 = arith.constant 0 : index
    %get3A_87 = vector.load %arg0[%get3A_85, %get3A_86] : memref<20000x91xf32, #tpu.memory_space<vmem>>, vector<400x91xf32>
    %reduce_max3A_88 = arith.constant dense<0xFF800000> : vector<400xf32>
    %reduce_max3A_89 = vector.multi_reduction <maximumf>, %get3A_87, %reduce_max3A_88 [1] : vector<400x91xf32> to vector<400xf32>
    %broadcast_in_dim3A_90 = vector.shape_cast %reduce_max3A_89 : vector<400xf32> to vector<400x1xf32>
    %reshape3A_91 = vector.shape_cast %broadcast_in_dim3A_90 : vector<400x1xf32> to vector<1x400xf32>
    %swap3A_92 = arith.constant 9 : index
    %swap3A_93 = arith.constant 0 : index
    %swap3A_94 = vector.load %arg11[%swap3A_92, %swap3A_93] : memref<50x400xf32, #tpu.memory_space<vmem>>, vector<1x400xf32>
    tpu.vector_store %arg11[%swap3A_92, %swap3A_93], %reshape3A_91 {strides = array<i32>} : memref<50x400xf32, #tpu.memory_space<vmem>>, vector<1x400xf32>,
    %get3A_95 = arith.constant 4000 : index
    %get3A_96 = arith.constant 0 : index
    %get3A_97 = vector.load %arg0[%get3A_95, %get3A_96] : memref<20000x91xf32, #tpu.memory_space<vmem>>, vector<400x91xf32>
    %reduce_max3A_98 = arith.constant dense<0xFF800000> : vector<400xf32>
    %reduce_max3A_99 = vector.multi_reduction <maximumf>, %get3A_97, %reduce_max3A_98 [1] : vector<400x91xf32> to vector<400xf32>
    %broadcast_in_dim3A_100 = vector.shape_cast %reduce_max3A_99 : vector<400xf32> to vector<400x1xf32>
    %reshape3A_101 = vector.shape_cast %broadcast_in_dim3A_100 : vector<400x1xf32> to vector<1x400xf32>
    %swap3A_102 = arith.constant 10 : index
    %swap3A_103 = arith.constant 0 : index
    %swap3A_104 = vector.load %arg11[%swap3A_102, %swap3A_103] : memref<50x400xf32, #tpu.memory_space<vmem>>, vector<1x400xf32>
    tpu.vector_store %arg11[%swap3A_102, %swap3A_103], %reshape3A_101 {strides = array<i32>} : memref<50x400xf32, #tpu.memory_space<vmem>>, vector<1x400xf32>,
    %get3A_105 = arith.constant 4400 : index
    %get3A_106 = arith.constant 0 : index
    %get3A_107 = vector.load %arg0[%get3A_105, %get3A_106] : memref<20000x91xf32, #tpu.memory_space<vmem>>, vector<400x91xf32>
    %reduce_max3A_108 = arith.constant dense<0xFF800000> : vector<400xf32>
    %reduce_max3A_109 = vector.multi_reduction <maximumf>, %get3A_107, %reduce_max3A_108 [1] : vector<400x91xf32> to vector<400xf32>
    %broadcast_in_dim3A_110 = vector.shape_cast %reduce_max3A_109 : vector<400xf32> to vector<400x1xf32>
    %reshape3A_111 = vector.shape_cast %broadcast_in_dim3A_110 : vector<400x1xf32> to vector<1x400xf32>
    %swap3A_112 = arith.constant 11 : index
    %swap3A_113 = arith.constant 0 : index
    %swap3A_114 = vector.load %arg11[%swap3A_112, %swap3A_113] : memref<50x400xf32, #tpu.memory_space<vmem>>, vector<1x400xf32>
    tpu.vector_store %arg11[%swap3A_112, %swap3A_113], %reshape3A_111 {strides = array<i32>} : memref<50x400xf32, #tpu.memory_space<vmem>>, vector<1x400xf32>,
    %get3A_115 = arith.constant 4800 : index
    %get3A_116 = arith.constant 0 : index
    %get3A_117 = vector.load %arg0[%get3A_115, %get3A_116] : memref<20000x91xf32, #tpu.memory_space<vmem>>, vector<400x91xf32>
    %reduce_max3A_118 = arith.constant dense<0xFF800000> : vector<400xf32>
    %reduce_max3A_119 = vector.multi_reduction <maximumf>, %get3A_117, %reduce_max3A_118 [1] : vector<400x91xf32> to vector<400xf32>
    %broadcast_in_dim3A_120 = vector.shape_cast %reduce_max3A_119 : vector<400xf32> to vector<400x1xf32>
    %reshape3A_121 = vector.shape_cast %broadcast_in_dim3A_120 : vector<400x1xf32> to vector<1x400xf32>
    %swap3A_122 = arith.constant 12 : index
    %swap3A_123 = arith.constant 0 : index
    %swap3A_124 = vector.load %arg11[%swap3A_122, %swap3A_123] : memref<50x400xf32, #tpu.memory_space<vmem>>, vector<1x400xf32>
    tpu.vector_store %arg11[%swap3A_122, %swap3A_123], %reshape3A_121 {strides = array<i32>} : memref<50x400xf32, #tpu.memory_space<vmem>>, vector<1x400xf32>,
    %get3A_125 = arith.constant 5200 : index
    %get3A_126 = arith.constant 0 : index
    %get3A_127 = vector.load %arg0[%get3A_125, %get3A_126] : memref<20000x91xf32, #tpu.memory_space<vmem>>, vector<400x91xf32>
    %reduce_max3A_128 = arith.constant dense<0xFF800000> : vector<400xf32>
    %reduce_max3A_129 = vector.multi_reduction <maximumf>, %get3A_127, %reduce_max3A_128 [1] : vector<400x91xf32> to vector<400xf32>
    %broadcast_in_dim3A_130 = vector.shape_cast %reduce_max3A_129 : vector<400xf32> to vector<400x1xf32>
    %reshape3A_131 = vector.shape_cast %broadcast_in_dim3A_130 : vector<400x1xf32> to vector<1x400xf32>
    %swap3A_132 = arith.constant 13 : index
    %swap3A_133 = arith.constant 0 : index
    %swap3A_134 = vector.load %arg11[%swap3A_132, %swap3A_133] : memref<50x400xf32, #tpu.memory_space<vmem>>, vector<1x400xf32>
    tpu.vector_store %arg11[%swap3A_132, %swap3A_133], %reshape3A_131 {strides = array<i32>} : memref<50x400xf32, #tpu.memory_space<vmem>>, vector<1x400xf32>,
    %get3A_135 = arith.constant 5600 : index
    %get3A_136 = arith.constant 0 : index
    %get3A_137 = vector.load %arg0[%get3A_135, %get3A_136] : memref<20000x91xf32, #tpu.memory_space<vmem>>, vector<400x91xf32>
    %reduce_max3A_138 = arith.constant dense<0xFF800000> : vector<400xf32>
    %reduce_max3A_139 = vector.multi_reduction <maximumf>, %get3A_137, %reduce_max3A_138 [1] : vector<400x91xf32> to vector<400xf32>
    %broadcast_in_dim3A_140 = vector.shape_cast %reduce_max3A_139 : vector<400xf32> to vector<400x1xf32>
    %reshape3A_141 = vector.shape_cast %broadcast_in_dim3A_140 : vector<400x1xf32> to vector<1x400xf32>
    %swap3A_142 = arith.constant 14 : index
    %swap3A_143 = arith.constant 0 : index
    %swap3A_144 = vector.load %arg11[%swap3A_142, %swap3A_143] : memref<50x400xf32, #tpu.memory_space<vmem>>, vector<1x400xf32>
    tpu.vector_store %arg11[%swap3A_142, %swap3A_143], %reshape3A_141 {strides = array<i32>} : memref<50x400xf32, #tpu.memory_space<vmem>>, vector<1x400xf32>,
    %get3A_145 = arith.constant 6000 : index
    %get3A_146 = arith.constant 0 : index
    %get3A_147 = vector.load %arg0[%get3A_145, %get3A_146] : memref<20000x91xf32, #tpu.memory_space<vmem>>, vector<400x91xf32>
    %reduce_max3A_148 = arith.constant dense<0xFF800000> : vector<400xf32>
    %reduce_max3A_149 = vector.multi_reduction <maximumf>, %get3A_147, %reduce_max3A_148 [1] : vector<400x91xf32> to vector<400xf32>
    %broadcast_in_dim3A_150 = vector.shape_cast %reduce_max3A_149 : vector<400xf32> to vector<400x1xf32>
    %reshape3A_151 = vector.shape_cast %broadcast_in_dim3A_150 : vector<400x1xf32> to vector<1x400xf32>
    %swap3A_152 = arith.constant 15 : index
    %swap3A_153 = arith.constant 0 : index
    %swap3A_154 = vector.load %arg11[%swap3A_152, %swap3A_153] : memref<50x400xf32, #tpu.memory_space<vmem>>, vector<1x400xf32>
    tpu.vector_store %arg11[%swap3A_152, %swap3A_153], %reshape3A_151 {strides = array<i32>} : memref<50x400xf32, #tpu.memory_space<vmem>>, vector<1x400xf32>,
    %get3A_155 = arith.constant 6400 : index
    %get3A_156 = arith.constant 0 : index
    %get3A_157 = vector.load %arg0[%get3A_155, %get3A_156] : memref<20000x91xf32, #tpu.memory_space<vmem>>, vector<400x91xf32>
    %reduce_max3A_158 = arith.constant dense<0xFF800000> : vector<400xf32>
    %reduce_max3A_159 = vector.multi_reduction <maximumf>, %get3A_157, %reduce_max3A_158 [1] : vector<400x91xf32> to vector<400xf32>
    %broadcast_in_dim3A_160 = vector.shape_cast %reduce_max3A_159 : vector<400xf32> to vector<400x1xf32>
    %reshape3A_161 = vector.shape_cast %broadcast_in_dim3A_160 : vector<400x1xf32> to vector<1x400xf32>
    %swap3A_162 = arith.constant 16 : index
    %swap3A_163 = arith.constant 0 : index
    %swap3A_164 = vector.load %arg11[%swap3A_162, %swap3A_163] : memref<50x400xf32, #tpu.memory_space<vmem>>, vector<1x400xf32>
    tpu.vector_store %arg11[%swap3A_162, %swap3A_163], %reshape3A_161 {strides = array<i32>} : memref<50x400xf32, #tpu.memory_space<vmem>>, vector<1x400xf32>,
    %get3A_165 = arith.constant 6800 : index
    %get3A_166 = arith.constant 0 : index
    %get3A_167 = vector.load %arg0[%get3A_165, %get3A_166] : memref<20000x91xf32, #tpu.memory_space<vmem>>, vector<400x91xf32>
    %reduce_max3A_168 = arith.constant dense<0xFF800000> : vector<400xf32>
    %reduce_max3A_169 = vector.multi_reduction <maximumf>, %get3A_167, %reduce_max3A_168 [1] : vector<400x91xf32> to vector<400xf32>
    %broadcast_in_dim3A_170 = vector.shape_cast %reduce_max3A_169 : vector<400xf32> to vector<400x1xf32>
    %reshape3A_171 = vector.shape_cast %broadcast_in_dim3A_170 : vector<400x1xf32> to vector<1x400xf32>
    %swap3A_172 = arith.constant 17 : index
    %swap3A_173 = arith.constant 0 : index
    %swap3A_174 = vector.load %arg11[%swap3A_172, %swap3A_173] : memref<50x400xf32, #tpu.memory_space<vmem>>, vector<1x400xf32>
    tpu.vector_store %arg11[%swap3A_172, %swap3A_173], %reshape3A_171 {strides = array<i32>} : memref<50x400xf32, #tpu.memory_space<vmem>>, vector<1x400xf32>,
    %get3A_175 = arith.constant 7200 : index
    %get3A_176 = arith.constant 0 : index
    %get3A_177 = vector.load %arg0[%get3A_175, %get3A_176] : memref<20000x91xf32, #tpu.memory_space<vmem>>, vector<400x91xf32>
    %reduce_max3A_178 = arith.constant dense<0xFF800000> : vector<400xf32>
    %reduce_max3A_179 = vector.multi_reduction <maximumf>, %get3A_177, %reduce_max3A_178 [1] : vector<400x91xf32> to vector<400xf32>
    %broadcast_in_dim3A_180 = vector.shape_cast %reduce_max3A_179 : vector<400xf32> to vector<400x1xf32>
    %reshape3A_181 = vector.shape_cast %broadcast_in_dim3A_180 : vector<400x1xf32> to vector<1x400xf32>
    %swap3A_182 = arith.constant 18 : index
    %swap3A_183 = arith.constant 0 : index
    %swap3A_184 = vector.load %arg11[%swap3A_182, %swap3A_183] : memref<50x400xf32, #tpu.memory_space<vmem>>, vector<1x400xf32>
    tpu.vector_store %arg11[%swap3A_182, %swap3A_183], %reshape3A_181 {strides = array<i32>} : memref<50x400xf32, #tpu.memory_space<vmem>>, vector<1x400xf32>,
    %get3A_185 = arith.constant 7600 : index
    %get3A_186 = arith.constant 0 : index
    %get3A_187 = vector.load %arg0[%get3A_185, %get3A_186] : memref<20000x91xf32, #tpu.memory_space<vmem>>, vector<400x91xf32>
    %reduce_max3A_188 = arith.constant dense<0xFF800000> : vector<400xf32>
    %reduce_max3A_189 = vector.multi_reduction <maximumf>, %get3A_187, %reduce_max3A_188 [1] : vector<400x91xf32> to vector<400xf32>
    %broadcast_in_dim3A_190 = vector.shape_cast %reduce_max3A_189 : vector<400xf32> to vector<400x1xf32>
    %reshape3A_191 = vector.shape_cast %broadcast_in_dim3A_190 : vector<400x1xf32> to vector<1x400xf32>
    %swap3A_192 = arith.constant 19 : index
    %swap3A_193 = arith.constant 0 : index
    %swap3A_194 = vector.load %arg11[%swap3A_192, %swap3A_193] : memref<50x400xf32, #tpu.memory_space<vmem>>, vector<1x400xf32>
    tpu.vector_store %arg11[%swap3A_192, %swap3A_193], %reshape3A_191 {strides = array<i32>} : memref<50x400xf32, #tpu.memory_space<vmem>>, vector<1x400xf32>,
    %get3A_195 = arith.constant 8000 : index
    %get3A_196 = arith.constant 0 : index
    %get3A_197 = vector.load %arg0[%get3A_195, %get3A_196] : memref<20000x91xf32, #tpu.memory_space<vmem>>, vector<400x91xf32>
    %reduce_max3A_198 = arith.constant dense<0xFF800000> : vector<400xf32>
    %reduce_max3A_199 = vector.multi_reduction <maximumf>, %get3A_197, %reduce_max3A_198 [1] : vector<400x91xf32> to vector<400xf32>
    %broadcast_in_dim3A_200 = vector.shape_cast %reduce_max3A_199 : vector<400xf32> to vector<400x1xf32>
    %reshape3A_201 = vector.shape_cast %broadcast_in_dim3A_200 : vector<400x1xf32> to vector<1x400xf32>
    %swap3A_202 = arith.constant 20 : index
    %swap3A_203 = arith.constant 0 : index
    %swap3A_204 = vector.load %arg11[%swap3A_202, %swap3A_203] : memref<50x400xf32, #tpu.memory_space<vmem>>, vector<1x400xf32>
    tpu.vector_store %arg11[%swap3A_202, %swap3A_203], %reshape3A_201 {strides = array<i32>} : memref<50x400xf32, #tpu.memory_space<vmem>>, vector<1x400xf32>,
    %get3A_205 = arith.constant 8400 : index
    %get3A_206 = arith.constant 0 : index
    %get3A_207 = vector.load %arg0[%get3A_205, %get3A_206] : memref<20000x91xf32, #tpu.memory_space<vmem>>, vector<400x91xf32>
    %reduce_max3A_208 = arith.constant dense<0xFF800000> : vector<400xf32>
    %reduce_max3A_209 = vector.multi_reduction <maximumf>, %get3A_207, %reduce_max3A_208 [1] : vector<400x91xf32> to vector<400xf32>
    %broadcast_in_dim3A_210 = vector.shape_cast %reduce_max3A_209 : vector<400xf32> to vector<400x1xf32>
    %reshape3A_211 = vector.shape_cast %broadcast_in_dim3A_210 : vector<400x1xf32> to vector<1x400xf32>
    %swap3A_212 = arith.constant 21 : index
    %swap3A_213 = arith.constant 0 : index
    %swap3A_214 = vector.load %arg11[%swap3A_212, %swap3A_213] : memref<50x400xf32, #tpu.memory_space<vmem>>, vector<1x400xf32>
    tpu.vector_store %arg11[%swap3A_212, %swap3A_213], %reshape3A_211 {strides = array<i32>} : memref<50x400xf32, #tpu.memory_space<vmem>>, vector<1x400xf32>,
    %get3A_215 = arith.constant 8800 : index
    %get3A_216 = arith.constant 0 : index
    %get3A_217 = vector.load %arg0[%get3A_215, %get3A_216] : memref<20000x91xf32, #tpu.memory_space<vmem>>, vector<400x91xf32>
    %reduce_max3A_218 = arith.constant dense<0xFF800000> : vector<400xf32>
    %reduce_max3A_219 = vector.multi_reduction <maximumf>, %get3A_217, %reduce_max3A_218 [1] : vector<400x91xf32> to vector<400xf32>
    %broadcast_in_dim3A_220 = vector.shape_cast %reduce_max3A_219 : vector<400xf32> to vector<400x1xf32>
    %reshape3A_221 = vector.shape_cast %broadcast_in_dim3A_220 : vector<400x1xf32> to vector<1x400xf32>
    %swap3A_222 = arith.constant 22 : index
    %swap3A_223 = arith.constant 0 : index
    %swap3A_224 = vector.load %arg11[%swap3A_222, %swap3A_223] : memref<50x400xf32, #tpu.memory_space<vmem>>, vector<1x400xf32>
    tpu.vector_store %arg11[%swap3A_222, %swap3A_223], %reshape3A_221 {strides = array<i32>} : memref<50x400xf32, #tpu.memory_space<vmem>>, vector<1x400xf32>,
    %get3A_225 = arith.constant 9200 : index
    %get3A_226 = arith.constant 0 : index
    %get3A_227 = vector.load %arg0[%get3A_225, %get3A_226] : memref<20000x91xf32, #tpu.memory_space<vmem>>, vector<400x91xf32>
    %reduce_max3A_228 = arith.constant dense<0xFF800000> : vector<400xf32>
    %reduce_max3A_229 = vector.multi_reduction <maximumf>, %get3A_227, %reduce_max3A_228 [1] : vector<400x91xf32> to vector<400xf32>
    %broadcast_in_dim3A_230 = vector.shape_cast %reduce_max3A_229 : vector<400xf32> to vector<400x1xf32>
    %reshape3A_231 = vector.shape_cast %broadcast_in_dim3A_230 : vector<400x1xf32> to vector<1x400xf32>
    %swap3A_232 = arith.constant 23 : index
    %swap3A_233 = arith.constant 0 : index
    %swap3A_234 = vector.load %arg11[%swap3A_232, %swap3A_233] : memref<50x400xf32, #tpu.memory_space<vmem>>, vector<1x400xf32>
    tpu.vector_store %arg11[%swap3A_232, %swap3A_233], %reshape3A_231 {strides = array<i32>} : memref<50x400xf32, #tpu.memory_space<vmem>>, vector<1x400xf32>,
    %get3A_235 = arith.constant 9600 : index
    %get3A_236 = arith.constant 0 : index
    %get3A_237 = vector.load %arg0[%get3A_235, %get3A_236] : memref<20000x91xf32, #tpu.memory_space<vmem>>, vector<400x91xf32>
    %reduce_max3A_238 = arith.constant dense<0xFF800000> : vector<400xf32>
    %reduce_max3A_239 = vector.multi_reduction <maximumf>, %get3A_237, %reduce_max3A_238 [1] : vector<400x91xf32> to vector<400xf32>
    %broadcast_in_dim3A_240 = vector.shape_cast %reduce_max3A_239 : vector<400xf32> to vector<400x1xf32>
    %reshape3A_241 = vector.shape_cast %broadcast_in_dim3A_240 : vector<400x1xf32> to vector<1x400xf32>
    %swap3A_242 = arith.constant 24 : index
    %swap3A_243 = arith.constant 0 : index
    %swap3A_244 = vector.load %arg11[%swap3A_242, %swap3A_243] : memref<50x400xf32, #tpu.memory_space<vmem>>, vector<1x400xf32>
    tpu.vector_store %arg11[%swap3A_242, %swap3A_243], %reshape3A_241 {strides = array<i32>} : memref<50x400xf32, #tpu.memory_space<vmem>>, vector<1x400xf32>,
    %get3A_245 = arith.constant 10000 : index
    %get3A_246 = arith.constant 0 : index
    %get3A_247 = vector.load %arg0[%get3A_245, %get3A_246] : memref<20000x91xf32, #tpu.memory_space<vmem>>, vector<400x91xf32>
    %reduce_max3A_248 = arith.constant dense<0xFF800000> : vector<400xf32>
    %reduce_max3A_249 = vector.multi_reduction <maximumf>, %get3A_247, %reduce_max3A_248 [1] : vector<400x91xf32> to vector<400xf32>
    %broadcast_in_dim3A_250 = vector.shape_cast %reduce_max3A_249 : vector<400xf32> to vector<400x1xf32>
    %reshape3A_251 = vector.shape_cast %broadcast_in_dim3A_250 : vector<400x1xf32> to vector<1x400xf32>
    %swap3A_252 = arith.constant 25 : index
    %swap3A_253 = arith.constant 0 : index
    %swap3A_254 = vector.load %arg11[%swap3A_252, %swap3A_253] : memref<50x400xf32, #tpu.memory_space<vmem>>, vector<1x400xf32>
    tpu.vector_store %arg11[%swap3A_252, %swap3A_253], %reshape3A_251 {strides = array<i32>} : memref<50x400xf32, #tpu.memory_space<vmem>>, vector<1x400xf32>,
    %get3A_255 = arith.constant 10400 : index
    %get3A_256 = arith.constant 0 : index
    %get3A_257 = vector.load %arg0[%get3A_255, %get3A_256] : memref<20000x91xf32, #tpu.memory_space<vmem>>, vector<400x91xf32>
    %reduce_max3A_258 = arith.constant dense<0xFF800000> : vector<400xf32>
    %reduce_max3A_259 = vector.multi_reduction <maximumf>, %get3A_257, %reduce_max3A_258 [1] : vector<400x91xf32> to vector<400xf32>
    %broadcast_in_dim3A_260 = vector.shape_cast %reduce_max3A_259 : vector<400xf32> to vector<400x1xf32>
    %reshape3A_261 = vector.shape_cast %broadcast_in_dim3A_260 : vector<400x1xf32> to vector<1x400xf32>
    %swap3A_262 = arith.constant 26 : index
    %swap3A_263 = arith.constant 0 : index
    %swap3A_264 = vector.load %arg11[%swap3A_262, %swap3A_263] : memref<50x400xf32, #tpu.memory_space<vmem>>, vector<1x400xf32>
    tpu.vector_store %arg11[%swap3A_262, %swap3A_263], %reshape3A_261 {strides = array<i32>} : memref<50x400xf32, #tpu.memory_space<vmem>>, vector<1x400xf32>,
    %get3A_265 = arith.constant 10800 : index
    %get3A_266 = arith.constant 0 : index
    %get3A_267 = vector.load %arg0[%get3A_265, %get3A_266] : memref<20000x91xf32, #tpu.memory_space<vmem>>, vector<400x91xf32>
    %reduce_max3A_268 = arith.constant dense<0xFF800000> : vector<400xf32>
    %reduce_max3A_269 = vector.multi_reduction <maximumf>, %get3A_267, %reduce_max3A_268 [1] : vector<400x91xf32> to vector<400xf32>
    %broadcast_in_dim3A_270 = vector.shape_cast %reduce_max3A_269 : vector<400xf32> to vector<400x1xf32>
    %reshape3A_271 = vector.shape_cast %broadcast_in_dim3A_270 : vector<400x1xf32> to vector<1x400xf32>
    %swap3A_272 = arith.constant 27 : index
    %swap3A_273 = arith.constant 0 : index
    %swap3A_274 = vector.load %arg11[%swap3A_272, %swap3A_273] : memref<50x400xf32, #tpu.memory_space<vmem>>, vector<1x400xf32>
    tpu.vector_store %arg11[%swap3A_272, %swap3A_273], %reshape3A_271 {strides = array<i32>} : memref<50x400xf32, #tpu.memory_space<vmem>>, vector<1x400xf32>,
    %get3A_275 = arith.constant 11200 : index
    %get3A_276 = arith.constant 0 : index
    %get3A_277 = vector.load %arg0[%get3A_275, %get3A_276] : memref<20000x91xf32, #tpu.memory_space<vmem>>, vector<400x91xf32>
    %reduce_max3A_278 = arith.constant dense<0xFF800000> : vector<400xf32>
    %reduce_max3A_279 = vector.multi_reduction <maximumf>, %get3A_277, %reduce_max3A_278 [1] : vector<400x91xf32> to vector<400xf32>
    %broadcast_in_dim3A_280 = vector.shape_cast %reduce_max3A_279 : vector<400xf32> to vector<400x1xf32>
    %reshape3A_281 = vector.shape_cast %broadcast_in_dim3A_280 : vector<400x1xf32> to vector<1x400xf32>
    %swap3A_282 = arith.constant 28 : index
    %swap3A_283 = arith.constant 0 : index
    %swap3A_284 = vector.load %arg11[%swap3A_282, %swap3A_283] : memref<50x400xf32, #tpu.memory_space<vmem>>, vector<1x400xf32>
    tpu.vector_store %arg11[%swap3A_282, %swap3A_283], %reshape3A_281 {strides = array<i32>} : memref<50x400xf32, #tpu.memory_space<vmem>>, vector<1x400xf32>,
    %get3A_285 = arith.constant 11600 : index
    %get3A_286 = arith.constant 0 : index
    %get3A_287 = vector.load %arg0[%get3A_285, %get3A_286] : memref<20000x91xf32, #tpu.memory_space<vmem>>, vector<400x91xf32>
    %reduce_max3A_288 = arith.constant dense<0xFF800000> : vector<400xf32>
    %reduce_max3A_289 = vector.multi_reduction <maximumf>, %get3A_287, %reduce_max3A_288 [1] : vector<400x91xf32> to vector<400xf32>
    %broadcast_in_dim3A_290 = vector.shape_cast %reduce_max3A_289 : vector<400xf32> to vector<400x1xf32>
    %reshape3A_291 = vector.shape_cast %broadcast_in_dim3A_290 : vector<400x1xf32> to vector<1x400xf32>
    %swap3A_292 = arith.constant 29 : index
    %swap3A_293 = arith.constant 0 : index
    %swap3A_294 = vector.load %arg11[%swap3A_292, %swap3A_293] : memref<50x400xf32, #tpu.memory_space<vmem>>, vector<1x400xf32>
    tpu.vector_store %arg11[%swap3A_292, %swap3A_293], %reshape3A_291 {strides = array<i32>} : memref<50x400xf32, #tpu.memory_space<vmem>>, vector<1x400xf32>,
    %get3A_295 = arith.constant 12000 : index
    %get3A_296 = arith.constant 0 : index
    %get3A_297 = vector.load %arg0[%get3A_295, %get3A_296] : memref<20000x91xf32, #tpu.memory_space<vmem>>, vector<400x91xf32>
    %reduce_max3A_298 = arith.constant dense<0xFF800000> : vector<400xf32>
    %reduce_max3A_299 = vector.multi_reduction <maximumf>, %get3A_297, %reduce_max3A_298 [1] : vector<400x91xf32> to vector<400xf32>
    %broadcast_in_dim3A_300 = vector.shape_cast %reduce_max3A_299 : vector<400xf32> to vector<400x1xf32>
    %reshape3A_301 = vector.shape_cast %broadcast_in_dim3A_300 : vector<400x1xf32> to vector<1x400xf32>
    %swap3A_302 = arith.constant 30 : index
    %swap3A_303 = arith.constant 0 : index
    %swap3A_304 = vector.load %arg11[%swap3A_302, %swap3A_303] : memref<50x400xf32, #tpu.memory_space<vmem>>, vector<1x400xf32>
    tpu.vector_store %arg11[%swap3A_302, %swap3A_303], %reshape3A_301 {strides = array<i32>} : memref<50x400xf32, #tpu.memory_space<vmem>>, vector<1x400xf32>,
    %get3A_305 = arith.constant 12400 : index
    %get3A_306 = arith.constant 0 : index
    %get3A_307 = vector.load %arg0[%get3A_305, %get3A_306] : memref<20000x91xf32, #tpu.memory_space<vmem>>, vector<400x91xf32>
    %reduce_max3A_308 = arith.constant dense<0xFF800000> : vector<400xf32>
    %reduce_max3A_309 = vector.multi_reduction <maximumf>, %get3A_307, %reduce_max3A_308 [1] : vector<400x91xf32> to vector<400xf32>
    %broadcast_in_dim3A_310 = vector.shape_cast %reduce_max3A_309 : vector<400xf32> to vector<400x1xf32>
    %reshape3A_311 = vector.shape_cast %broadcast_in_dim3A_310 : vector<400x1xf32> to vector<1x400xf32>
    %swap3A_312 = arith.constant 31 : index
    %swap3A_313 = arith.constant 0 : index
    %swap3A_314 = vector.load %arg11[%swap3A_312, %swap3A_313] : memref<50x400xf32, #tpu.memory_space<vmem>>, vector<1x400xf32>
    tpu.vector_store %arg11[%swap3A_312, %swap3A_313], %reshape3A_311 {strides = array<i32>} : memref<50x400xf32, #tpu.memory_space<vmem>>, vector<1x400xf32>,
    %get3A_315 = arith.constant 12800 : index
    %get3A_316 = arith.constant 0 : index
    %get3A_317 = vector.load %arg0[%get3A_315, %get3A_316] : memref<20000x91xf32, #tpu.memory_space<vmem>>, vector<400x91xf32>
    %reduce_max3A_318 = arith.constant dense<0xFF800000> : vector<400xf32>
    %reduce_max3A_319 = vector.multi_reduction <maximumf>, %get3A_317, %reduce_max3A_318 [1] : vector<400x91xf32> to vector<400xf32>
    %broadcast_in_dim3A_320 = vector.shape_cast %reduce_max3A_319 : vector<400xf32> to vector<400x1xf32>
    %reshape3A_321 = vector.shape_cast %broadcast_in_dim3A_320 : vector<400x1xf32> to vector<1x400xf32>
    %swap3A_322 = arith.constant 32 : index
    %swap3A_323 = arith.constant 0 : index
    %swap3A_324 = vector.load %arg11[%swap3A_322, %swap3A_323] : memref<50x400xf32, #tpu.memory_space<vmem>>, vector<1x400xf32>
    tpu.vector_store %arg11[%swap3A_322, %swap3A_323], %reshape3A_321 {strides = array<i32>} : memref<50x400xf32, #tpu.memory_space<vmem>>, vector<1x400xf32>,
    %get3A_325 = arith.constant 13200 : index
    %get3A_326 = arith.constant 0 : index
    %get3A_327 = vector.load %arg0[%get3A_325, %get3A_326] : memref<20000x91xf32, #tpu.memory_space<vmem>>, vector<400x91xf32>
    %reduce_max3A_328 = arith.constant dense<0xFF800000> : vector<400xf32>
    %reduce_max3A_329 = vector.multi_reduction <maximumf>, %get3A_327, %reduce_max3A_328 [1] : vector<400x91xf32> to vector<400xf32>
    %broadcast_in_dim3A_330 = vector.shape_cast %reduce_max3A_329 : vector<400xf32> to vector<400x1xf32>
    %reshape3A_331 = vector.shape_cast %broadcast_in_dim3A_330 : vector<400x1xf32> to vector<1x400xf32>
    %swap3A_332 = arith.constant 33 : index
    %swap3A_333 = arith.constant 0 : index
    %swap3A_334 = vector.load %arg11[%swap3A_332, %swap3A_333] : memref<50x400xf32, #tpu.memory_space<vmem>>, vector<1x400xf32>
    tpu.vector_store %arg11[%swap3A_332, %swap3A_333], %reshape3A_331 {strides = array<i32>} : memref<50x400xf32, #tpu.memory_space<vmem>>, vector<1x400xf32>,
    %get3A_335 = arith.constant 13600 : index
    %get3A_336 = arith.constant 0 : index
    %get3A_337 = vector.load %arg0[%get3A_335, %get3A_336] : memref<20000x91xf32, #tpu.memory_space<vmem>>, vector<400x91xf32>
    %reduce_max3A_338 = arith.constant dense<0xFF800000> : vector<400xf32>
    %reduce_max3A_339 = vector.multi_reduction <maximumf>, %get3A_337, %reduce_max3A_338 [1] : vector<400x91xf32> to vector<400xf32>
    %broadcast_in_dim3A_340 = vector.shape_cast %reduce_max3A_339 : vector<400xf32> to vector<400x1xf32>
    %reshape3A_341 = vector.shape_cast %broadcast_in_dim3A_340 : vector<400x1xf32> to vector<1x400xf32>
    %swap3A_342 = arith.constant 34 : index
    %swap3A_343 = arith.constant 0 : index
    %swap3A_344 = vector.load %arg11[%swap3A_342, %swap3A_343] : memref<50x400xf32, #tpu.memory_space<vmem>>, vector<1x400xf32>
    tpu.vector_store %arg11[%swap3A_342, %swap3A_343], %reshape3A_341 {strides = array<i32>} : memref<50x400xf32, #tpu.memory_space<vmem>>, vector<1x400xf32>,
    %get3A_345 = arith.constant 14000 : index
    %get3A_346 = arith.constant 0 : index
    %get3A_347 = vector.load %arg0[%get3A_345, %get3A_346] : memref<20000x91xf32, #tpu.memory_space<vmem>>, vector<400x91xf32>
    %reduce_max3A_348 = arith.constant dense<0xFF800000> : vector<400xf32>
    %reduce_max3A_349 = vector.multi_reduction <maximumf>, %get3A_347, %reduce_max3A_348 [1] : vector<400x91xf32> to vector<400xf32>
    %broadcast_in_dim3A_350 = vector.shape_cast %reduce_max3A_349 : vector<400xf32> to vector<400x1xf32>
    %reshape3A_351 = vector.shape_cast %broadcast_in_dim3A_350 : vector<400x1xf32> to vector<1x400xf32>
    %swap3A_352 = arith.constant 35 : index
    %swap3A_353 = arith.constant 0 : index
    %swap3A_354 = vector.load %arg11[%swap3A_352, %swap3A_353] : memref<50x400xf32, #tpu.memory_space<vmem>>, vector<1x400xf32>
    tpu.vector_store %arg11[%swap3A_352, %swap3A_353], %reshape3A_351 {strides = array<i32>} : memref<50x400xf32, #tpu.memory_space<vmem>>, vector<1x400xf32>,
    %get3A_355 = arith.constant 14400 : index
    %get3A_356 = arith.constant 0 : index
    %get3A_357 = vector.load %arg0[%get3A_355, %get3A_356] : memref<20000x91xf32, #tpu.memory_space<vmem>>, vector<400x91xf32>
    %reduce_max3A_358 = arith.constant dense<0xFF800000> : vector<400xf32>
    %reduce_max3A_359 = vector.multi_reduction <maximumf>, %get3A_357, %reduce_max3A_358 [1] : vector<400x91xf32> to vector<400xf32>
    %broadcast_in_dim3A_360 = vector.shape_cast %reduce_max3A_359 : vector<400xf32> to vector<400x1xf32>
    %reshape3A_361 = vector.shape_cast %broadcast_in_dim3A_360 : vector<400x1xf32> to vector<1x400xf32>
    %swap3A_362 = arith.constant 36 : index
    %swap3A_363 = arith.constant 0 : index
    %swap3A_364 = vector.load %arg11[%swap3A_362, %swap3A_363] : memref<50x400xf32, #tpu.memory_space<vmem>>, vector<1x400xf32>
    tpu.vector_store %arg11[%swap3A_362, %swap3A_363], %reshape3A_361 {strides = array<i32>} : memref<50x400xf32, #tpu.memory_space<vmem>>, vector<1x400xf32>,
    %get3A_365 = arith.constant 14800 : index
    %get3A_366 = arith.constant 0 : index
    %get3A_367 = vector.load %arg0[%get3A_365, %get3A_366] : memref<20000x91xf32, #tpu.memory_space<vmem>>, vector<400x91xf32>
    %reduce_max3A_368 = arith.constant dense<0xFF800000> : vector<400xf32>
    %reduce_max3A_369 = vector.multi_reduction <maximumf>, %get3A_367, %reduce_max3A_368 [1] : vector<400x91xf32> to vector<400xf32>
    %broadcast_in_dim3A_370 = vector.shape_cast %reduce_max3A_369 : vector<400xf32> to vector<400x1xf32>
    %reshape3A_371 = vector.shape_cast %broadcast_in_dim3A_370 : vector<400x1xf32> to vector<1x400xf32>
    %swap3A_372 = arith.constant 37 : index
    %swap3A_373 = arith.constant 0 : index
    %swap3A_374 = vector.load %arg11[%swap3A_372, %swap3A_373] : memref<50x400xf32, #tpu.memory_space<vmem>>, vector<1x400xf32>
    tpu.vector_store %arg11[%swap3A_372, %swap3A_373], %reshape3A_371 {strides = array<i32>} : memref<50x400xf32, #tpu.memory_space<vmem>>, vector<1x400xf32>,
    %get3A_375 = arith.constant 15200 : index
    %get3A_376 = arith.constant 0 : index
    %get3A_377 = vector.load %arg0[%get3A_375, %get3A_376] : memref<20000x91xf32, #tpu.memory_space<vmem>>, vector<400x91xf32>
    %reduce_max3A_378 = arith.constant dense<0xFF800000> : vector<400xf32>
    %reduce_max3A_379 = vector.multi_reduction <maximumf>, %get3A_377, %reduce_max3A_378 [1] : vector<400x91xf32> to vector<400xf32>
    %broadcast_in_dim3A_380 = vector.shape_cast %reduce_max3A_379 : vector<400xf32> to vector<400x1xf32>
    %reshape3A_381 = vector.shape_cast %broadcast_in_dim3A_380 : vector<400x1xf32> to vector<1x400xf32>
    %swap3A_382 = arith.constant 38 : index
    %swap3A_383 = arith.constant 0 : index
    %swap3A_384 = vector.load %arg11[%swap3A_382, %swap3A_383] : memref<50x400xf32, #tpu.memory_space<vmem>>, vector<1x400xf32>
    tpu.vector_store %arg11[%swap3A_382, %swap3A_383], %reshape3A_381 {strides = array<i32>} : memref<50x400xf32, #tpu.memory_space<vmem>>, vector<1x400xf32>,
    %get3A_385 = arith.constant 15600 : index
    %get3A_386 = arith.constant 0 : index
    %get3A_387 = vector.load %arg0[%get3A_385, %get3A_386] : memref<20000x91xf32, #tpu.memory_space<vmem>>, vector<400x91xf32>
    %reduce_max3A_388 = arith.constant dense<0xFF800000> : vector<400xf32>
    %reduce_max3A_389 = vector.multi_reduction <maximumf>, %get3A_387, %reduce_max3A_388 [1] : vector<400x91xf32> to vector<400xf32>
    %broadcast_in_dim3A_390 = vector.shape_cast %reduce_max3A_389 : vector<400xf32> to vector<400x1xf32>
    %reshape3A_391 = vector.shape_cast %broadcast_in_dim3A_390 : vector<400x1xf32> to vector<1x400xf32>
    %swap3A_392 = arith.constant 39 : index
    %swap3A_393 = arith.constant 0 : index
    %swap3A_394 = vector.load %arg11[%swap3A_392, %swap3A_393] : memref<50x400xf32, #tpu.memory_space<vmem>>, vector<1x400xf32>
    tpu.vector_store %arg11[%swap3A_392, %swap3A_393], %reshape3A_391 {strides = array<i32>} : memref<50x400xf32, #tpu.memory_space<vmem>>, vector<1x400xf32>,
    %get3A_395 = arith.constant 16000 : index
    %get3A_396 = arith.constant 0 : index
    %get3A_397 = vector.load %arg0[%get3A_395, %get3A_396] : memref<20000x91xf32, #tpu.memory_space<vmem>>, vector<400x91xf32>
    %reduce_max3A_398 = arith.constant dense<0xFF800000> : vector<400xf32>
    %reduce_max3A_399 = vector.multi_reduction <maximumf>, %get3A_397, %reduce_max3A_398 [1] : vector<400x91xf32> to vector<400xf32>
    %broadcast_in_dim3A_400 = vector.shape_cast %reduce_max3A_399 : vector<400xf32> to vector<400x1xf32>
    %reshape3A_401 = vector.shape_cast %broadcast_in_dim3A_400 : vector<400x1xf32> to vector<1x400xf32>
    %swap3A_402 = arith.constant 40 : index
    %swap3A_403 = arith.constant 0 : index
    %swap3A_404 = vector.load %arg11[%swap3A_402, %swap3A_403] : memref<50x400xf32, #tpu.memory_space<vmem>>, vector<1x400xf32>
    tpu.vector_store %arg11[%swap3A_402, %swap3A_403], %reshape3A_401 {strides = array<i32>} : memref<50x400xf32, #tpu.memory_space<vmem>>, vector<1x400xf32>,
    %get3A_405 = arith.constant 16400 : index
    %get3A_406 = arith.constant 0 : index
    %get3A_407 = vector.load %arg0[%get3A_405, %get3A_406] : memref<20000x91xf32, #tpu.memory_space<vmem>>, vector<400x91xf32>
    %reduce_max3A_408 = arith.constant dense<0xFF800000> : vector<400xf32>
    %reduce_max3A_409 = vector.multi_reduction <maximumf>, %get3A_407, %reduce_max3A_408 [1] : vector<400x91xf32> to vector<400xf32>
    %broadcast_in_dim3A_410 = vector.shape_cast %reduce_max3A_409 : vector<400xf32> to vector<400x1xf32>
    %reshape3A_411 = vector.shape_cast %broadcast_in_dim3A_410 : vector<400x1xf32> to vector<1x400xf32>
    %swap3A_412 = arith.constant 41 : index
    %swap3A_413 = arith.constant 0 : index
    %swap3A_414 = vector.load %arg11[%swap3A_412, %swap3A_413] : memref<50x400xf32, #tpu.memory_space<vmem>>, vector<1x400xf32>
    tpu.vector_store %arg11[%swap3A_412, %swap3A_413], %reshape3A_411 {strides = array<i32>} : memref<50x400xf32, #tpu.memory_space<vmem>>, vector<1x400xf32>,
    %get3A_415 = arith.constant 16800 : index
    %get3A_416 = arith.constant 0 : index
    %get3A_417 = vector.load %arg0[%get3A_415, %get3A_416] : memref<20000x91xf32, #tpu.memory_space<vmem>>, vector<400x91xf32>
    %reduce_max3A_418 = arith.constant dense<0xFF800000> : vector<400xf32>
    %reduce_max3A_419 = vector.multi_reduction <maximumf>, %get3A_417, %reduce_max3A_418 [1] : vector<400x91xf32> to vector<400xf32>
    %broadcast_in_dim3A_420 = vector.shape_cast %reduce_max3A_419 : vector<400xf32> to vector<400x1xf32>
    %reshape3A_421 = vector.shape_cast %broadcast_in_dim3A_420 : vector<400x1xf32> to vector<1x400xf32>
    %swap3A_422 = arith.constant 42 : index
    %swap3A_423 = arith.constant 0 : index
    %swap3A_424 = vector.load %arg11[%swap3A_422, %swap3A_423] : memref<50x400xf32, #tpu.memory_space<vmem>>, vector<1x400xf32>
    tpu.vector_store %arg11[%swap3A_422, %swap3A_423], %reshape3A_421 {strides = array<i32>} : memref<50x400xf32, #tpu.memory_space<vmem>>, vector<1x400xf32>,
    %get3A_425 = arith.constant 17200 : index
    %get3A_426 = arith.constant 0 : index
    %get3A_427 = vector.load %arg0[%get3A_425, %get3A_426] : memref<20000x91xf32, #tpu.memory_space<vmem>>, vector<400x91xf32>
    %reduce_max3A_428 = arith.constant dense<0xFF800000> : vector<400xf32>
    %reduce_max3A_429 = vector.multi_reduction <maximumf>, %get3A_427, %reduce_max3A_428 [1] : vector<400x91xf32> to vector<400xf32>
    %broadcast_in_dim3A_430 = vector.shape_cast %reduce_max3A_429 : vector<400xf32> to vector<400x1xf32>
    %reshape3A_431 = vector.shape_cast %broadcast_in_dim3A_430 : vector<400x1xf32> to vector<1x400xf32>
    %swap3A_432 = arith.constant 43 : index
    %swap3A_433 = arith.constant 0 : index
    %swap3A_434 = vector.load %arg11[%swap3A_432, %swap3A_433] : memref<50x400xf32, #tpu.memory_space<vmem>>, vector<1x400xf32>
    tpu.vector_store %arg11[%swap3A_432, %swap3A_433], %reshape3A_431 {strides = array<i32>} : memref<50x400xf32, #tpu.memory_space<vmem>>, vector<1x400xf32>,
    %get3A_435 = arith.constant 17600 : index
    %get3A_436 = arith.constant 0 : index
    %get3A_437 = vector.load %arg0[%get3A_435, %get3A_436] : memref<20000x91xf32, #tpu.memory_space<vmem>>, vector<400x91xf32>
    %reduce_max3A_438 = arith.constant dense<0xFF800000> : vector<400xf32>
    %reduce_max3A_439 = vector.multi_reduction <maximumf>, %get3A_437, %reduce_max3A_438 [1] : vector<400x91xf32> to vector<400xf32>
    %broadcast_in_dim3A_440 = vector.shape_cast %reduce_max3A_439 : vector<400xf32> to vector<400x1xf32>
    %reshape3A_441 = vector.shape_cast %broadcast_in_dim3A_440 : vector<400x1xf32> to vector<1x400xf32>
    %swap3A_442 = arith.constant 44 : index
    %swap3A_443 = arith.constant 0 : index
    %swap3A_444 = vector.load %arg11[%swap3A_442, %swap3A_443] : memref<50x400xf32, #tpu.memory_space<vmem>>, vector<1x400xf32>
    tpu.vector_store %arg11[%swap3A_442, %swap3A_443], %reshape3A_441 {strides = array<i32>} : memref<50x400xf32, #tpu.memory_space<vmem>>, vector<1x400xf32>,
    %get3A_445 = arith.constant 18000 : index
    %get3A_446 = arith.constant 0 : index
    %get3A_447 = vector.load %arg0[%get3A_445, %get3A_446] : memref<20000x91xf32, #tpu.memory_space<vmem>>, vector<400x91xf32>
    %reduce_max3A_448 = arith.constant dense<0xFF800000> : vector<400xf32>
    %reduce_max3A_449 = vector.multi_reduction <maximumf>, %get3A_447, %reduce_max3A_448 [1] : vector<400x91xf32> to vector<400xf32>
    %broadcast_in_dim3A_450 = vector.shape_cast %reduce_max3A_449 : vector<400xf32> to vector<400x1xf32>
    %reshape3A_451 = vector.shape_cast %broadcast_in_dim3A_450 : vector<400x1xf32> to vector<1x400xf32>
    %swap3A_452 = arith.constant 45 : index
    %swap3A_453 = arith.constant 0 : index
    %swap3A_454 = vector.load %arg11[%swap3A_452, %swap3A_453] : memref<50x400xf32, #tpu.memory_space<vmem>>, vector<1x400xf32>
    tpu.vector_store %arg11[%swap3A_452, %swap3A_453], %reshape3A_451 {strides = array<i32>} : memref<50x400xf32, #tpu.memory_space<vmem>>, vector<1x400xf32>,
    %get3A_455 = arith.constant 18400 : index
    %get3A_456 = arith.constant 0 : index
    %get3A_457 = vector.load %arg0[%get3A_455, %get3A_456] : memref<20000x91xf32, #tpu.memory_space<vmem>>, vector<400x91xf32>
    %reduce_max3A_458 = arith.constant dense<0xFF800000> : vector<400xf32>
    %reduce_max3A_459 = vector.multi_reduction <maximumf>, %get3A_457, %reduce_max3A_458 [1] : vector<400x91xf32> to vector<400xf32>
    %broadcast_in_dim3A_460 = vector.shape_cast %reduce_max3A_459 : vector<400xf32> to vector<400x1xf32>
    %reshape3A_461 = vector.shape_cast %broadcast_in_dim3A_460 : vector<400x1xf32> to vector<1x400xf32>
    %swap3A_462 = arith.constant 46 : index
    %swap3A_463 = arith.constant 0 : index
    %swap3A_464 = vector.load %arg11[%swap3A_462, %swap3A_463] : memref<50x400xf32, #tpu.memory_space<vmem>>, vector<1x400xf32>
    tpu.vector_store %arg11[%swap3A_462, %swap3A_463], %reshape3A_461 {strides = array<i32>} : memref<50x400xf32, #tpu.memory_space<vmem>>, vector<1x400xf32>,
    %get3A_465 = arith.constant 18800 : index
    %get3A_466 = arith.constant 0 : index
    %get3A_467 = vector.load %arg0[%get3A_465, %get3A_466] : memref<20000x91xf32, #tpu.memory_space<vmem>>, vector<400x91xf32>
    %reduce_max3A_468 = arith.constant dense<0xFF800000> : vector<400xf32>
    %reduce_max3A_469 = vector.multi_reduction <maximumf>, %get3A_467, %reduce_max3A_468 [1] : vector<400x91xf32> to vector<400xf32>
    %broadcast_in_dim3A_470 = vector.shape_cast %reduce_max3A_469 : vector<400xf32> to vector<400x1xf32>
    %reshape3A_471 = vector.shape_cast %broadcast_in_dim3A_470 : vector<400x1xf32> to vector<1x400xf32>
    %swap3A_472 = arith.constant 47 : index
    %swap3A_473 = arith.constant 0 : index
    %swap3A_474 = vector.load %arg11[%swap3A_472, %swap3A_473] : memref<50x400xf32, #tpu.memory_space<vmem>>, vector<1x400xf32>
    tpu.vector_store %arg11[%swap3A_472, %swap3A_473], %reshape3A_471 {strides = array<i32>} : memref<50x400xf32, #tpu.memory_space<vmem>>, vector<1x400xf32>,
    %get3A_475 = arith.constant 19200 : index
    %get3A_476 = arith.constant 0 : index
    %get3A_477 = vector.load %arg0[%get3A_475, %get3A_476] : memref<20000x91xf32, #tpu.memory_space<vmem>>, vector<400x91xf32>
    %reduce_max3A_478 = arith.constant dense<0xFF800000> : vector<400xf32>
    %reduce_max3A_479 = vector.multi_reduction <maximumf>, %get3A_477, %reduce_max3A_478 [1] : vector<400x91xf32> to vector<400xf32>
    %broadcast_in_dim3A_480 = vector.shape_cast %reduce_max3A_479 : vector<400xf32> to vector<400x1xf32>
    %reshape3A_481 = vector.shape_cast %broadcast_in_dim3A_480 : vector<400x1xf32> to vector<1x400xf32>
    %swap3A_482 = arith.constant 48 : index
    %swap3A_483 = arith.constant 0 : index
    %swap3A_484 = vector.load %arg11[%swap3A_482, %swap3A_483] : memref<50x400xf32, #tpu.memory_space<vmem>>, vector<1x400xf32>
    tpu.vector_store %arg11[%swap3A_482, %swap3A_483], %reshape3A_481 {strides = array<i32>} : memref<50x400xf32, #tpu.memory_space<vmem>>, vector<1x400xf32>,
    %get3A_485 = arith.constant 19600 : index
    %get3A_486 = arith.constant 0 : index
    %get3A_487 = vector.load %arg0[%get3A_485, %get3A_486] : memref<20000x91xf32, #tpu.memory_space<vmem>>, vector<400x91xf32>
    %reduce_max3A_488 = arith.constant dense<0xFF800000> : vector<400xf32>
    %reduce_max3A_489 = vector.multi_reduction <maximumf>, %get3A_487, %reduce_max3A_488 [1] : vector<400x91xf32> to vector<400xf32>
    %broadcast_in_dim3A_490 = vector.shape_cast %reduce_max3A_489 : vector<400xf32> to vector<400x1xf32>
    %reshape3A_491 = vector.shape_cast %broadcast_in_dim3A_490 : vector<400x1xf32> to vector<1x400xf32>
    %swap3A_492 = arith.constant 49 : index
    %swap3A_493 = arith.constant 0 : index
    %swap3A_494 = vector.load %arg11[%swap3A_492, %swap3A_493] : memref<50x400xf32, #tpu.memory_space<vmem>>, vector<1x400xf32>
    tpu.vector_store %arg11[%swap3A_492, %swap3A_493], %reshape3A_491 {strides = array<i32>} : memref<50x400xf32, #tpu.memory_space<vmem>>, vector<1x400xf32>,
    %get3A_495 = arith.constant 0 : index
    %get3A_496 = arith.constant 0 : index
    %get3A_497 = vector.load %arg11[%get3A_495, %get3A_496] : memref<50x400xf32, #tpu.memory_space<vmem>>, vector<50x400xf32>
    %reduce_max3A_498 = arith.constant dense<0xFF800000> : vector<50xf32>
    %reduce_max3A_499 = vector.multi_reduction <maximumf>, %get3A_497, %reduce_max3A_498 [1] : vector<50x400xf32> to vector<50xf32>
    %broadcast_in_dim3A_500 = vector.shape_cast %reduce_max3A_499 : vector<50xf32> to vector<50x1xf32>
    %swap3A_501 = arith.constant 0 : index
    %swap3A_502 = arith.constant 0 : index
    %swap3A_503 = vector.load %arg12[%swap3A_501, %swap3A_502] : memref<50x1xf32, #tpu.memory_space<vmem>>, vector<50x1xf32>
    tpu.vector_store %arg12[%swap3A_501, %swap3A_502], %broadcast_in_dim3A_500 {strides = array<i32>} : memref<50x1xf32, #tpu.memory_space<vmem>>, vector<50x1xf32>,
    %broadcast_in_dim3A_504 = arith.constant 0xFF800000 : f32
    %broadcast_in_dim3A_505 = vector.broadcast %broadcast_in_dim3A_504 : f32 to vector<128x91xf32>
    %swap3A_506 = arith.constant 0 : index
    %swap3A_507 = arith.constant 0 : index
    %swap3A_508 = vector.load %arg13[%swap3A_506, %swap3A_507] : memref<128x91xf32, #tpu.memory_space<vmem>>, vector<128x91xf32>
    tpu.vector_store %arg13[%swap3A_506, %swap3A_507], %broadcast_in_dim3A_505 {strides = array<i32>} : memref<128x91xf32, #tpu.memory_space<vmem>>, vector<128x91xf32>,
    %broadcast_in_dim3A_509 = arith.constant 0 : i32
    %broadcast_in_dim3A_510 = vector.broadcast %broadcast_in_dim3A_509 : i32 to vector<128x1xi32>
    %swap3A_511 = arith.constant 0 : index
    %swap3A_512 = arith.constant 0 : index
    %swap3A_513 = vector.load %arg14[%swap3A_511, %swap3A_512] : memref<128x1xi32, #tpu.memory_space<vmem>>, vector<128x1xi32>
    tpu.vector_store %arg14[%swap3A_511, %swap3A_512], %broadcast_in_dim3A_510 {strides = array<i32>} : memref<128x1xi32, #tpu.memory_space<vmem>>, vector<128x1xi32>,
    %iota3A = tpu.iota {dimensions = array<i32: 0>} : vector<50x1xi32>
    %iota3A_514 = tpu.iota {dimensions = array<i32: 1>} : vector<1x400xi32>
    %scan3A = arith.constant 1073741824 : i32
    %scan3A_515 = arith.constant 0 : i32
    %scan3A_516 = arith.constant 100 : i32
    %scan3A_517 = arith.addi %scan3A_515, %scan3A_516 : i32
    %scan3A_518 = arith.constant 1 : i32
    scf.for %scan3A_668 = %scan3A_515 to %scan3A_517 step %scan3A_518  : i32 {
      %get3A_669 = arith.constant 0 : index
      %get3A_670 = arith.constant 0 : index
      %get3A_671 = vector.load %arg12[%get3A_669, %get3A_670] : memref<50x1xf32, #tpu.memory_space<vmem>>, vector<50x1xf32>
      %reduce_max3A_672 = vector.shape_cast %get3A_671 : vector<50x1xf32> to vector<1x50x1xf32>
      %reduce_max3A_673 = arith.constant dense<0xFF800000> : vector<1xf32>
      %reduce_max3A_674 = vector.multi_reduction <maximumf>, %reduce_max3A_672, %reduce_max3A_673 [1, 2] : vector<1x50x1xf32> to vector<1xf32>
      %reduce_max3A_675 = vector.shape_cast %reduce_max3A_674 : vector<1xf32> to vector<1x1x1xf32>
      %reduce_max3A_676 = vector.extract %reduce_max3A_675[0, 0, 0] : f32 from vector<1x1x1xf32>
      %get3A_677 = arith.constant 0 : index
      %get3A_678 = arith.constant 0 : index
      %get3A_679 = vector.load %arg12[%get3A_677, %get3A_678] : memref<50x1xf32, #tpu.memory_space<vmem>>, vector<50x1xf32>
      %eq3A_680 = vector.broadcast %reduce_max3A_676 : f32 to vector<50x1xf32>
      %eq3A_681 = arith.cmpf oeq, %get3A_679, %eq3A_680 : vector<50x1xf32>
      %broadcast_in_dim3A_682 = vector.broadcast %scan3A : i32 to vector<50x1xi32>
      %select_n3A_683 = arith.select %eq3A_681, %iota3A, %broadcast_in_dim3A_682 : vector<50x1xi1>, vector<50x1xi32>
      %reduce_min3A = vector.shape_cast %select_n3A_683 : vector<50x1xi32> to vector<1x50x1xi32>
      %reduce_min3A_684 = arith.constant dense<2147483647> : vector<1xi32>
      %reduce_min3A_685 = vector.multi_reduction <minsi>, %reduce_min3A, %reduce_min3A_684 [1, 2] : vector<1x50x1xi32> to vector<1xi32>
      %reduce_min3A_686 = vector.shape_cast %reduce_min3A_685 : vector<1xi32> to vector<1x1x1xi32>
      %reduce_min3A_687 = vector.extract %reduce_min3A_686[0, 0, 0] : i32 from vector<1x1x1xi32>
      %get3A_688 = arith.index_cast %reduce_min3A_687 : i32 to index
      %get3A_689 = arith.constant 0 : index
      %get3A_690 = vector.load %arg11[%get3A_688, %get3A_689] : memref<50x400xf32, #tpu.memory_space<vmem>>, vector<1x400xf32>
      %eq3A_691 = vector.broadcast %reduce_max3A_676 : f32 to vector<1x400xf32>
      %eq3A_692 = arith.cmpf oeq, %get3A_690, %eq3A_691 : vector<1x400xf32>
      %broadcast_in_dim3A_693 = vector.broadcast %scan3A : i32 to vector<1x400xi32>
      %select_n3A_694 = arith.select %eq3A_692, %iota3A_514, %broadcast_in_dim3A_693 : vector<1x400xi1>, vector<1x400xi32>
      %reduce_min3A_695 = vector.shape_cast %select_n3A_694 : vector<1x400xi32> to vector<1x1x400xi32>
      %reduce_min3A_696 = arith.constant dense<2147483647> : vector<1xi32>
      %reduce_min3A_697 = vector.multi_reduction <minsi>, %reduce_min3A_695, %reduce_min3A_696 [1, 2] : vector<1x1x400xi32> to vector<1xi32>
      %reduce_min3A_698 = vector.shape_cast %reduce_min3A_697 : vector<1xi32> to vector<1x1x1xi32>
      %reduce_min3A_699 = vector.extract %reduce_min3A_698[0, 0, 0] : i32 from vector<1x1x1xi32>
      %mul3A_700 = arith.constant 400 : i32
      %mul3A_701 = arith.muli %reduce_min3A_687, %mul3A_700 : i32
      %add3A_702 = arith.addi %mul3A_701, %reduce_min3A_699 : i32
      %get3A_703 = arith.index_cast %add3A_702 : i32 to index
      %get3A_704 = arith.constant 0 : index
      %get3A_705 = vector.load %arg0[%get3A_703, %get3A_704] : memref<20000x91xf32, #tpu.memory_space<vmem>>, vector<1x91xf32>
      %swap3A_706 = arith.index_cast %scan3A_668 : i32 to index
      %swap3A_707 = arith.constant 0 : index
      %swap3A_708 = vector.load %arg13[%swap3A_706, %swap3A_707] : memref<128x91xf32, #tpu.memory_space<vmem>>, vector<1x91xf32>
      tpu.vector_store %arg13[%swap3A_706, %swap3A_707], %get3A_705 {strides = array<i32>} : memref<128x91xf32, #tpu.memory_space<vmem>>, vector<1x91xf32>,
      %broadcast_in_dim3A_709 = vector.broadcast %add3A_702 : i32 to vector<1x1xi32>
      %swap3A_710 = arith.index_cast %scan3A_668 : i32 to index
      %swap3A_711 = arith.constant 0 : index
      %swap3A_712 = vector.load %arg14[%swap3A_710, %swap3A_711] : memref<128x1xi32, #tpu.memory_space<vmem>>, vector<1x1xi32>
      tpu.vector_store %arg14[%swap3A_710, %swap3A_711], %broadcast_in_dim3A_709 {strides = array<i32>} : memref<128x1xi32, #tpu.memory_space<vmem>>, vector<1x1xi32>,
      %eq3A_713 = vector.broadcast %reduce_min3A_699 : i32 to vector<1x400xi32>
      %eq3A_714 = arith.cmpi eq, %iota3A_514, %eq3A_713 : vector<1x400xi32>
      %jit3A_715 = arith.constant 0xFF800000 : f32
      %broadcast_in_dim3A_716 = vector.broadcast %jit3A_715 : f32 to vector<1x400xf32>
      %select_n3A_717 = arith.select %eq3A_714, %broadcast_in_dim3A_716, %get3A_690 : vector<1x400xi1>, vector<1x400xf32>
      %swap3A_718 = arith.index_cast %reduce_min3A_687 : i32 to index
      %swap3A_719 = arith.constant 0 : index
      %swap3A_720 = vector.load %arg11[%swap3A_718, %swap3A_719] : memref<50x400xf32, #tpu.memory_space<vmem>>, vector<1x400xf32>
      tpu.vector_store %arg11[%swap3A_718, %swap3A_719], %select_n3A_717 {strides = array<i32>} : memref<50x400xf32, #tpu.memory_space<vmem>>, vector<1x400xf32>,
      %reduce_max3A_721 = arith.constant dense<0xFF800000> : vector<1xf32>
      %reduce_max3A_722 = vector.multi_reduction <maximumf>, %select_n3A_717, %reduce_max3A_721 [1] : vector<1x400xf32> to vector<1xf32>
      %broadcast_in_dim3A_723 = vector.shape_cast %reduce_max3A_722 : vector<1xf32> to vector<1x1xf32>
      %swap3A_724 = arith.index_cast %reduce_min3A_687 : i32 to index
      %swap3A_725 = arith.constant 0 : index
      %swap3A_726 = vector.load %arg12[%swap3A_724, %swap3A_725] : memref<50x1xf32, #tpu.memory_space<vmem>>, vector<1x1xf32>
      tpu.vector_store %arg12[%swap3A_724, %swap3A_725], %broadcast_in_dim3A_723 {strides = array<i32>} : memref<50x1xf32, #tpu.memory_space<vmem>>, vector<1x1xf32>,
    }
    %scan3A_519 = arith.constant 100 : i32
    %iota3A_520 = tpu.iota {dimensions = array<i32: 1>} : vector<128x91xi32>
    %get3A_521 = arith.constant 0 : index
    %get3A_522 = arith.constant 0 : index
    %get3A_523 = vector.load %arg14[%get3A_521, %get3A_522] : memref<128x1xi32, #tpu.memory_space<vmem>>, vector<128x1xi32>
    %mul3A = arith.constant 91 : i32
    %mul3A_524 = vector.broadcast %mul3A : i32 to vector<128x1xi32>
    %mul3A_525 = arith.muli %get3A_523, %mul3A_524 : vector<128x1xi32>
    %add3A = vector.broadcast %mul3A_525 : vector<128x1xi32> to vector<128x91xi32>
    %add3A_526 = arith.addi %add3A, %iota3A_520 : vector<128x91xi32>
    %iota3A_527 = tpu.iota {dimensions = array<i32: 1>} : vector<1x128xi32>
    %get3A_528 = arith.constant 0 : index
    %get3A_529 = arith.constant 0 : index
    %get3A_530 = vector.load %arg13[%get3A_528, %get3A_529] : memref<128x91xf32, #tpu.memory_space<vmem>>, vector<128x91xf32>
    %broadcast_in_dim3A_531 = arith.constant 0.000000e+00 : f32
    %broadcast_in_dim3A_532 = vector.broadcast %broadcast_in_dim3A_531 : f32 to vector<1x128xf32>
    %broadcast_in_dim3A_533 = arith.constant 0 : i32
    %broadcast_in_dim3A_534 = vector.broadcast %broadcast_in_dim3A_533 : i32 to vector<1x128xi32>
    %scan3A_535 = arith.constant 1073741824 : i32
    %scan3A_536 = arith.constant 0 : i32
    %scan3A_537 = arith.constant 100 : i32
    %scan3A_538 = arith.addi %scan3A_536, %scan3A_537 : i32
    %scan3A_539 = arith.constant 1 : i32
    %scan3A_540:3 = scf.for %scan3A_668 = %scan3A_536 to %scan3A_538 step %scan3A_539 iter_args(%scan3A_669 = %get3A_530, %scan3A_670 = %broadcast_in_dim3A_532, %scan3A_671 = %broadcast_in_dim3A_534) -> (vector<128x91xf32>, vector<1x128xf32>, vector<1x128xi32>)  : i32 {
      %reduce_max3A_672 = vector.shape_cast %scan3A_669 : vector<128x91xf32> to vector<1x128x91xf32>
      %reduce_max3A_673 = arith.constant dense<0xFF800000> : vector<1xf32>
      %reduce_max3A_674 = vector.multi_reduction <maximumf>, %reduce_max3A_672, %reduce_max3A_673 [1, 2] : vector<1x128x91xf32> to vector<1xf32>
      %reduce_max3A_675 = vector.shape_cast %reduce_max3A_674 : vector<1xf32> to vector<1x1x1xf32>
      %reduce_max3A_676 = vector.extract %reduce_max3A_675[0, 0, 0] : f32 from vector<1x1x1xf32>
      %eq3A_677 = vector.broadcast %reduce_max3A_676 : f32 to vector<128x91xf32>
      %eq3A_678 = arith.cmpf oeq, %scan3A_669, %eq3A_677 : vector<128x91xf32>
      %broadcast_in_dim3A_679 = vector.broadcast %scan3A_535 : i32 to vector<128x91xi32>
      %select_n3A_680 = arith.select %eq3A_678, %add3A_526, %broadcast_in_dim3A_679 : vector<128x91xi1>, vector<128x91xi32>
      %reduce_min3A = vector.shape_cast %select_n3A_680 : vector<128x91xi32> to vector<1x128x91xi32>
      %reduce_min3A_681 = arith.constant dense<2147483647> : vector<1xi32>
      %reduce_min3A_682 = vector.multi_reduction <minsi>, %reduce_min3A, %reduce_min3A_681 [1, 2] : vector<1x128x91xi32> to vector<1xi32>
      %reduce_min3A_683 = vector.shape_cast %reduce_min3A_682 : vector<1xi32> to vector<1x1x1xi32>
      %reduce_min3A_684 = vector.extract %reduce_min3A_683[0, 0, 0] : i32 from vector<1x1x1xi32>
      %jit3A_685 = arith.constant 91 : i32
      %div3A_686 = arith.divsi %reduce_min3A_684, %jit3A_685 : i32
      %sign3A_687 = arith.constant 0 : i32
      %sign3A_688 = arith.cmpi sgt, %reduce_min3A_684, %sign3A_687 : i32
      %sign3A_689 = arith.extui %sign3A_688 : i1 to i32
      %sign3A_690 = arith.constant 0 : i32
      %sign3A_691 = arith.cmpi slt, %reduce_min3A_684, %sign3A_690 : i32
      %sign3A_692 = arith.extui %sign3A_691 : i1 to i32
      %sign3A_693 = arith.subi %sign3A_689, %sign3A_692 : i32
      %sign3A_694 = arith.constant 0 : i32
      %sign3A_695 = arith.cmpi sgt, %jit3A_685, %sign3A_694 : i32
      %sign3A_696 = arith.extui %sign3A_695 : i1 to i32
      %sign3A_697 = arith.constant 0 : i32
      %sign3A_698 = arith.cmpi slt, %jit3A_685, %sign3A_697 : i32
      %sign3A_699 = arith.extui %sign3A_698 : i1 to i32
      %sign3A_700 = arith.subi %sign3A_696, %sign3A_699 : i32
      %ne3A_701 = arith.cmpi ne, %sign3A_693, %sign3A_700 : i32
      %rem3A_702 = arith.remsi %reduce_min3A_684, %jit3A_685 : i32
      %ne3A_703 = arith.constant 0 : i32
      %ne3A_704 = arith.cmpi ne, %rem3A_702, %ne3A_703 : i32
      %and3A_705 = arith.andi %ne3A_701, %ne3A_704 : i1
      %sub3A_706 = arith.constant 1 : i32
      %sub3A_707 = arith.subi %div3A_686, %sub3A_706 : i32
      %select_n3A_708 = arith.select %and3A_705, %sub3A_707, %div3A_686 : i32
      %get3A_709 = arith.index_cast %select_n3A_708 : i32 to index
      %get3A_710 = arith.constant 0 : index
      %get3A_711 = vector.load %arg1[%get3A_709, %get3A_710] : memref<20000x4xf32, #tpu.memory_space<vmem>>, vector<1x4xf32>
      %swap3A_712 = arith.index_cast %scan3A_668 : i32 to index
      %swap3A_713 = arith.constant 0 : index
      %swap3A_714 = vector.load %arg15[%swap3A_712, %swap3A_713] : memref<128x4xf32, #tpu.memory_space<vmem>>, vector<1x4xf32>
      tpu.vector_store %arg15[%swap3A_712, %swap3A_713], %get3A_711 {strides = array<i32>} : memref<128x4xf32, #tpu.memory_space<vmem>>, vector<1x4xf32>,
      %get3A_715 = arith.index_cast %select_n3A_708 : i32 to index
      %get3A_716 = arith.constant 0 : index
      %get3A_717 = vector.load %arg2[%get3A_715, %get3A_716] : memref<20000x2xf32, #tpu.memory_space<vmem>>, vector<1x2xf32>
      %swap3A_718 = arith.index_cast %scan3A_668 : i32 to index
      %swap3A_719 = arith.constant 0 : index
      %swap3A_720 = vector.load %arg16[%swap3A_718, %swap3A_719] : memref<128x2xf32, #tpu.memory_space<vmem>>, vector<1x2xf32>
      tpu.vector_store %arg16[%swap3A_718, %swap3A_719], %get3A_717 {strides = array<i32>} : memref<128x2xf32, #tpu.memory_space<vmem>>, vector<1x2xf32>,
      %get3A_721 = arith.index_cast %select_n3A_708 : i32 to index
      %get3A_722 = arith.constant 0 : index
      %get3A_723 = vector.load %arg3[%get3A_721, %get3A_722] : memref<20000x1xi32, #tpu.memory_space<vmem>>, vector<1x1xi32>
      %swap3A_724 = arith.index_cast %scan3A_668 : i32 to index
      %swap3A_725 = arith.constant 0 : index
      %swap3A_726 = vector.load %arg17[%swap3A_724, %swap3A_725] : memref<128x1xi32, #tpu.memory_space<vmem>>, vector<1x1xi32>
      tpu.vector_store %arg17[%swap3A_724, %swap3A_725], %get3A_723 {strides = array<i32>} : memref<128x1xi32, #tpu.memory_space<vmem>>, vector<1x1xi32>,
      %eq3A_727 = vector.broadcast %scan3A_668 : i32 to vector<1x128xi32>
      %eq3A_728 = arith.cmpi eq, %iota3A_527, %eq3A_727 : vector<1x128xi32>
      %broadcast_in_dim3A_729 = vector.broadcast %reduce_max3A_676 : f32 to vector<1x128xf32>
      %select_n3A_730 = arith.select %eq3A_728, %broadcast_in_dim3A_729, %scan3A_670 : vector<1x128xi1>, vector<1x128xf32>
      %eq3A_731 = vector.broadcast %scan3A_668 : i32 to vector<1x128xi32>
      %eq3A_732 = arith.cmpi eq, %iota3A_527, %eq3A_731 : vector<1x128xi32>
      %broadcast_in_dim3A_733 = vector.broadcast %reduce_min3A_684 : i32 to vector<1x128xi32>
      %select_n3A_734 = arith.select %eq3A_732, %broadcast_in_dim3A_733, %scan3A_671 : vector<1x128xi1>, vector<1x128xi32>
      %eq3A_735 = vector.broadcast %reduce_min3A_684 : i32 to vector<128x91xi32>
      %eq3A_736 = arith.cmpi eq, %add3A_526, %eq3A_735 : vector<128x91xi32>
      %jit3A_737 = arith.constant 0xFF800000 : f32
      %broadcast_in_dim3A_738 = vector.broadcast %jit3A_737 : f32 to vector<128x91xf32>
      %select_n3A_739 = arith.select %eq3A_736, %broadcast_in_dim3A_738, %scan3A_669 : vector<128x91xi1>, vector<128x91xf32>
      scf.yield %select_n3A_739, %select_n3A_730, %select_n3A_734 : vector<128x91xf32>, vector<1x128xf32>, vector<1x128xi32>
    }
    %scan3A_541 = arith.constant 100 : i32
    %logistic3A = arith.negf %scan3A_540#1 : vector<1x128xf32>
    %logistic3A_542 = math.exp %logistic3A : vector<1x128xf32>
    %logistic3A_543 = arith.constant 1.000000e+00 : f32
    %logistic3A_544 = vector.broadcast %logistic3A_543 : f32 to vector<1x128xf32>
    %logistic3A_545 = arith.addf %logistic3A_544, %logistic3A_542 : vector<1x128xf32>
    %logistic3A_546 = arith.divf %logistic3A_544, %logistic3A_545 : vector<1x128xf32>
    %swap3A_547 = arith.constant 0 : index
    %swap3A_548 = arith.constant 0 : index
    %swap3A_549 = vector.load %arg5[%swap3A_547, %swap3A_548] : memref<1x128xf32, #tpu.memory_space<vmem>>, vector<1x128xf32>
    tpu.vector_store %arg5[%swap3A_547, %swap3A_548], %logistic3A_546 {strides = array<i32>} : memref<1x128xf32, #tpu.memory_space<vmem>>, vector<1x128xf32>,
    %jit3A = arith.constant 91 : i32
    %eq3A = arith.constant 0 : i32
    %eq3A_550 = arith.cmpi eq, %jit3A, %eq3A : i32
    %jit3A_551 = arith.constant 1 : i32
    %select_n3A = arith.select %eq3A_550, %jit3A_551, %jit3A : i32
    %rem3A = vector.broadcast %select_n3A : i32 to vector<1x128xi32>
    %rem3A_552 = arith.remsi %scan3A_540#2, %rem3A : vector<1x128xi32>
    %ne3A = arith.constant 0 : i32
    %ne3A_553 = vector.broadcast %ne3A : i32 to vector<1x128xi32>
    %ne3A_554 = arith.cmpi ne, %rem3A_552, %ne3A_553 : vector<1x128xi32>
    %lt3A = arith.constant 0 : i32
    %lt3A_555 = vector.broadcast %lt3A : i32 to vector<1x128xi32>
    %lt3A_556 = arith.cmpi slt, %rem3A_552, %lt3A_555 : vector<1x128xi32>
    %lt3A_557 = arith.constant 0 : i32
    %lt3A_558 = arith.cmpi slt, %select_n3A, %lt3A_557 : i32
    %ne3A_559 = vector.broadcast %lt3A_558 : i1 to vector<1x128xi1>
    %ne3A_560 = vector.broadcast %ne3A_559 : vector<1x128xi1> to vector<1x128xi1>
    %ne3A_561 = arith.xori %lt3A_556, %ne3A_560 : vector<1x128xi1>
    %and3A = arith.andi %ne3A_561, %ne3A_554 : vector<1x128xi1>
    %add3A_562 = vector.broadcast %select_n3A : i32 to vector<1x128xi32>
    %add3A_563 = arith.addi %rem3A_552, %add3A_562 : vector<1x128xi32>
    %select_n3A_564 = arith.select %and3A, %add3A_563, %rem3A_552 : vector<1x128xi1>, vector<1x128xi32>
    %swap3A_565 = arith.constant 0 : index
    %swap3A_566 = arith.constant 0 : index
    %swap3A_567 = vector.load %arg6[%swap3A_565, %swap3A_566] : memref<1x128xi32, #tpu.memory_space<vmem>>, vector<1x128xi32>
    tpu.vector_store %arg6[%swap3A_565, %swap3A_566], %select_n3A_564 {strides = array<i32>} : memref<1x128xi32, #tpu.memory_space<vmem>>, vector<1x128xi32>,
    %lt3A_568 = arith.constant 100 : i32
    %lt3A_569 = vector.broadcast %lt3A_568 : i32 to vector<1x128xi32>
    %lt3A_570 = arith.cmpi slt, %iota3A_527, %lt3A_569 : vector<1x128xi32>
    %jit3A_571 = arith.constant 91 : i32
    %div3A = vector.broadcast %jit3A_571 : i32 to vector<1x128xi32>
    %div3A_572 = arith.divsi %scan3A_540#2, %div3A : vector<1x128xi32>
    %sign3A = arith.constant 0 : i32
    %sign3A_573 = vector.broadcast %sign3A : i32 to vector<1x128xi32>
    %sign3A_574 = arith.cmpi sgt, %scan3A_540#2, %sign3A_573 : vector<1x128xi32>
    %sign3A_575 = arith.extui %sign3A_574 : vector<1x128xi1> to vector<1x128xi32>
    %sign3A_576 = arith.constant 0 : i32
    %sign3A_577 = vector.broadcast %sign3A_576 : i32 to vector<1x128xi32>
    %sign3A_578 = arith.cmpi slt, %scan3A_540#2, %sign3A_577 : vector<1x128xi32>
    %sign3A_579 = arith.extui %sign3A_578 : vector<1x128xi1> to vector<1x128xi32>
    %sign3A_580 = arith.subi %sign3A_575, %sign3A_579 : vector<1x128xi32>
    %sign3A_581 = arith.constant 0 : i32
    %sign3A_582 = arith.cmpi sgt, %jit3A_571, %sign3A_581 : i32
    %sign3A_583 = arith.extui %sign3A_582 : i1 to i32
    %sign3A_584 = arith.constant 0 : i32
    %sign3A_585 = arith.cmpi slt, %jit3A_571, %sign3A_584 : i32
    %sign3A_586 = arith.extui %sign3A_585 : i1 to i32
    %sign3A_587 = arith.subi %sign3A_583, %sign3A_586 : i32
    %ne3A_588 = vector.broadcast %sign3A_587 : i32 to vector<1x128xi32>
    %ne3A_589 = arith.cmpi ne, %sign3A_580, %ne3A_588 : vector<1x128xi32>
    %rem3A_590 = vector.broadcast %jit3A_571 : i32 to vector<1x128xi32>
    %rem3A_591 = arith.remsi %scan3A_540#2, %rem3A_590 : vector<1x128xi32>
    %ne3A_592 = arith.constant 0 : i32
    %ne3A_593 = vector.broadcast %ne3A_592 : i32 to vector<1x128xi32>
    %ne3A_594 = arith.cmpi ne, %rem3A_591, %ne3A_593 : vector<1x128xi32>
    %and3A_595 = arith.andi %ne3A_589, %ne3A_594 : vector<1x128xi1>
    %sub3A = arith.constant 1 : i32
    %sub3A_596 = vector.broadcast %sub3A : i32 to vector<1x128xi32>
    %sub3A_597 = arith.subi %div3A_572, %sub3A_596 : vector<1x128xi32>
    %select_n3A_598 = arith.select %and3A_595, %sub3A_597, %div3A_572 : vector<1x128xi1>, vector<1x128xi32>
    %jit3A_599 = arith.constant 0 : i32
    %broadcast_in_dim3A_600 = vector.broadcast %jit3A_599 : i32 to vector<1x128xi32>
    %select_n3A_601 = arith.select %lt3A_570, %select_n3A_598, %broadcast_in_dim3A_600 : vector<1x128xi1>, vector<1x128xi32>
    %swap3A_602 = arith.constant 0 : index
    %swap3A_603 = arith.constant 0 : index
    %swap3A_604 = vector.load %arg7[%swap3A_602, %swap3A_603] : memref<1x128xi32, #tpu.memory_space<vmem>>, vector<1x128xi32>
    tpu.vector_store %arg7[%swap3A_602, %swap3A_603], %select_n3A_601 {strides = array<i32>} : memref<1x128xi32, #tpu.memory_space<vmem>>, vector<1x128xi32>,
    %get3A_605 = arith.constant 0 : index
    %get3A_606 = memref.load %arg4[%get3A_605] : memref<2xf32, #tpu.memory_space<smem>>
    %get3A_607 = arith.constant 1 : index
    %get3A_608 = memref.load %arg4[%get3A_607] : memref<2xf32, #tpu.memory_space<smem>>
    %get3A_609 = arith.constant 0 : index
    %get3A_610 = arith.constant 0 : index
    %get3A_611 = vector.load %arg15[%get3A_609, %get3A_610] : memref<128x4xf32, #tpu.memory_space<vmem>>, vector<128x1xf32>
    %get3A_612 = arith.constant 0 : index
    %get3A_613 = arith.constant 1 : index
    %get3A_614 = vector.load %arg15[%get3A_612, %get3A_613] : memref<128x4xf32, #tpu.memory_space<vmem>>, vector<128x1xf32>
    %get3A_615 = arith.constant 0 : index
    %get3A_616 = arith.constant 2 : index
    %get3A_617 = vector.load %arg15[%get3A_615, %get3A_616] : memref<128x4xf32, #tpu.memory_space<vmem>>, vector<128x1xf32>
    %get3A_618 = arith.constant 0 : index
    %get3A_619 = arith.constant 3 : index
    %get3A_620 = vector.load %arg15[%get3A_618, %get3A_619] : memref<128x4xf32, #tpu.memory_space<vmem>>, vector<128x1xf32>
    %mul3A_621 = arith.constant 5.000000e-01 : f32
    %mul3A_622 = vector.broadcast %mul3A_621 : f32 to vector<128x1xf32>
    %mul3A_623 = arith.mulf %mul3A_622, %get3A_617 : vector<128x1xf32>
    %sub3A_624 = arith.subf %get3A_611, %mul3A_623 : vector<128x1xf32>
    %mul3A_625 = vector.broadcast %get3A_608 : f32 to vector<128x1xf32>
    %mul3A_626 = arith.mulf %sub3A_624, %mul3A_625 : vector<128x1xf32>
    %mul3A_627 = arith.constant 5.000000e-01 : f32
    %mul3A_628 = vector.broadcast %mul3A_627 : f32 to vector<128x1xf32>
    %mul3A_629 = arith.mulf %mul3A_628, %get3A_620 : vector<128x1xf32>
    %sub3A_630 = arith.subf %get3A_614, %mul3A_629 : vector<128x1xf32>
    %mul3A_631 = vector.broadcast %get3A_606 : f32 to vector<128x1xf32>
    %mul3A_632 = arith.mulf %sub3A_630, %mul3A_631 : vector<128x1xf32>
    %mul3A_633 = arith.constant 5.000000e-01 : f32
    %mul3A_634 = vector.broadcast %mul3A_633 : f32 to vector<128x1xf32>
    %mul3A_635 = arith.mulf %mul3A_634, %get3A_617 : vector<128x1xf32>
    %add3A_636 = arith.addf %get3A_611, %mul3A_635 : vector<128x1xf32>
    %mul3A_637 = vector.broadcast %get3A_608 : f32 to vector<128x1xf32>
    %mul3A_638 = arith.mulf %add3A_636, %mul3A_637 : vector<128x1xf32>
    %mul3A_639 = arith.constant 5.000000e-01 : f32
    %mul3A_640 = vector.broadcast %mul3A_639 : f32 to vector<128x1xf32>
    %mul3A_641 = arith.mulf %mul3A_640, %get3A_620 : vector<128x1xf32>
    %add3A_642 = arith.addf %get3A_614, %mul3A_641 : vector<128x1xf32>
    %mul3A_643 = vector.broadcast %get3A_606 : f32 to vector<128x1xf32>
    %mul3A_644 = arith.mulf %add3A_642, %mul3A_643 : vector<128x1xf32>
    %concatenate3A = tpu.concatenate %mul3A_626, %mul3A_632, %mul3A_638, %mul3A_644 in 1 : vector<128x1xf32>, vector<128x1xf32>, vector<128x1xf32>, vector<128x1xf32> -> vector<128x4xf32>
    %swap3A_645 = arith.constant 0 : index
    %swap3A_646 = arith.constant 0 : index
    %swap3A_647 = vector.load %arg8[%swap3A_645, %swap3A_646] : memref<128x4xf32, #tpu.memory_space<vmem>>, vector<128x4xf32>
    tpu.vector_store %arg8[%swap3A_645, %swap3A_646], %concatenate3A {strides = array<i32>} : memref<128x4xf32, #tpu.memory_space<vmem>>, vector<128x4xf32>,
    %get3A_648 = arith.constant 0 : index
    %get3A_649 = arith.constant 0 : index
    %get3A_650 = vector.load %arg16[%get3A_648, %get3A_649] : memref<128x2xf32, #tpu.memory_space<vmem>>, vector<128x1xf32>
    %mul3A_651 = vector.broadcast %get3A_608 : f32 to vector<128x1xf32>
    %mul3A_652 = arith.mulf %get3A_650, %mul3A_651 : vector<128x1xf32>
    %get3A_653 = arith.constant 0 : index
    %get3A_654 = arith.constant 1 : index
    %get3A_655 = vector.load %arg16[%get3A_653, %get3A_654] : memref<128x2xf32, #tpu.memory_space<vmem>>, vector<128x1xf32>
    %mul3A_656 = vector.broadcast %get3A_606 : f32 to vector<128x1xf32>
    %mul3A_657 = arith.mulf %get3A_655, %mul3A_656 : vector<128x1xf32>
    %concatenate3A_658 = tpu.concatenate %mul3A_652, %mul3A_657 in 1 : vector<128x1xf32>, vector<128x1xf32> -> vector<128x2xf32>
    %swap3A_659 = arith.constant 0 : index
    %swap3A_660 = arith.constant 0 : index
    %swap3A_661 = vector.load %arg9[%swap3A_659, %swap3A_660] : memref<128x2xf32, #tpu.memory_space<vmem>>, vector<128x2xf32>
    tpu.vector_store %arg9[%swap3A_659, %swap3A_660], %concatenate3A_658 {strides = array<i32>} : memref<128x2xf32, #tpu.memory_space<vmem>>, vector<128x2xf32>,
    %get3A_662 = arith.constant 0 : index
    %get3A_663 = arith.constant 0 : index
    %get3A_664 = vector.load %arg17[%get3A_662, %get3A_663] : memref<128x1xi32, #tpu.memory_space<vmem>>, vector<128x1xi32>
    %swap3A_665 = arith.constant 0 : index
    %swap3A_666 = arith.constant 0 : index
    %swap3A_667 = vector.load %arg10[%swap3A_665, %swap3A_666] : memref<128x1xi32, #tpu.memory_space<vmem>>, vector<128x1xi32>
    tpu.vector_store %arg10[%swap3A_665, %swap3A_666], %get3A_664 {strides = array<i32>} : memref<128x1xi32, #tpu.memory_space<vmem>>, vector<128x1xi32>,
    return
  }
}

</mosaic_0001>

<sc_bundles>
// kernel: kernel.4.cloned.1.call-start
scs
__scs_entry_jumppad:
0x0: {  	(pc) =	sbr.rel $0x88, $3  }
0x1: {  	(tag) =	ssettag $0x0;
	lr =	simm.s32 $0x1  }
0x2: {  	[smem:$0x3F9B] =	sst lr;
	_ =	strace $0xD0000000  }
0x3: {  	_ = 	snop  }
0x4: {  	_ = 	snop  }
0x5: {  	_ = 	snop  }
0x6: {  	_ = 	snop  }
0x7: {  	_ = 	snop  }
__scs_overlays_trampoline_lowered:
0x8: {  	[smem:$0x3FAA] =	sst s0  }
0x9: {  	[smem:$0x3FAB] =	sst s1  }
0xa: {  	[smem:$0x3FAC] =	sst s2  }
0xb: {  	[smem:$0x3FAD] =	sst s3  }
0xc: {  	[smem:$0x3FAE] =	sst s4  }
0xd: {  	[smem:$0x3FAF] =	sst s5  }
0xe: {  	[smem:$0x3FB0] =	sst s6  }
0xf: {  	[smem:$0x3FB1] =	sst s7  }
0x10: {  	[smem:$0x3FB2] =	sst s8  }
0x11: {  	[smem:$0x3FB3] =	sst s9;
	s0 =	simm.s32 @!p0 $0x0  }
0x12: {  	s1 =	sld [smem:$0x3F99];
	s0 =	simm.s32 @p0 $0x1  }
0x13: {  	[smem:$0x3FB4] =	sst s0;
	s0 =	simm.s32 @!p1 $0x0  }
0x14: {  	s2 =	sld [smem:$0x3F98];
	s0 =	simm.s32 @p1 $0x1  }
0x15: {  	[smem:$0x3FB5] =	sst s0;
	s0 =	simm.s32 @!p2 $0x0  }
0x16: {  	s3 =	sld [smem:$0x3FDB];
	s0 =	simm.s32 @p2 $0x1  }
0x17: {  	s4 =	simm.s32 $0x1BF5;
	[smem:$0x3FB7] =	sst s0  }
0x18: {  	s0 =	sld [smem:$0x3F9A];
	_ =	swait.ge [sflag:s4], $0x0  }
0x19: {  	s7 =	sld [smem:$0x3F9B]  }
0x1a: {  	s8 =	sadd.s32 $0xFFFFE003, lr  }
0x1b: {  	s9 =	sadd.s32 $0xFFFFFEF7, lr;
	s5 =	simm.s32 $0xFFFFFFFF;
	p2 =	slt.u32 s8, $0xFFFFF086  }
0x1c: {  	p1 =	slt.u32 s9, $0xF7A;
	s5 =	simm.s32 @!p2 $0x0  }
0x1d: {  	s5 =	simm.s32 @p1 $0x1;
	p0 =	seq.s32 s7, s2  }
0x1e: {  	s7 =	smul.u32 @!p0 $0xF7A, s2;
	p2 =	seq.s32 @!p0 s5, $0x0  }
0x1f: {  	s9 =	smul.u32 $0xF7A, s1;
	s8 =	simm.s32 @!p0 $0x1BF5;
	p2 =	por !p2, p0  }
0x20: {  	[sflag:s8] =	ssyncset.s32 @!p0 $0xFFFFF086;
	s6 =	sadd.s32 @!p0 s3, s7;
	s7 =	simm.s32 @!p0 $0x108  }
0x21: {  	s3 =	sadd.s32 s3, s9;
	s6 =	sadd.s32 @!p0 $0x88, s6;
	s7 =	simm.s32 @p2 $0x1082  }
0x22: {  	[simem:s7], [sflag:s8] =	dma.local @!p0 [hbm:s6], $0xF7A  }
0x23: {  	s9 =	sor.u32 $0xD0000000, s2;
	s6 =	simm.s32 $0x108;
	_ =	swait.ge @!p0 [sflag:s8], $0x0  }
0x24: {  	s3 =	sadd.s32 $0x88, s3;
	s6 =	simm.s32 @!p1 $0x1082;
	[sflag:s4] =	ssyncset.s32 $0xFFFFF086  }
0x25: {  	[simem:s6], [sflag:s4] =	dma.local [hbm:s3], $0xF7A  }
0x26: {  	[smem:$0x3F9B] =	sst s1;
	(tag) =	ssettag s2;
	_ =	strace s9  }
0x27: {  	s1 =	sld [smem:$0x3FAB]  }
0x28: {  	s2 =	sld [smem:$0x3FAC]  }
0x29: {  	s4 =	sld [smem:$0x3FAE]  }
0x2a: {  	p0 =	seq.s32 s5, $0x0;
	s5 =	sld [smem:$0x3FAF]  }
0x2b: {  	s6 =	sld [smem:$0x3FB0]  }
0x2c: {  	s7 =	sld [smem:$0x3FB1]  }
0x2d: {  	s3 =	simm.s32 $0x108;
	s8 =	sld [smem:$0x3FB2]  }
0x2e: {  	s3 =	simm.s32 @!p0 $0x1082;
	s9 =	sld [smem:$0x3FB3]  }
0x2f: {  	lr =	sadd.s32 s0, s3;
	s0 =	sld [smem:$0x3FAA]  }
0x30: {  	s3 =	sld [smem:$0x3FAD]  }
0x31: {  	[smem:$0x3FB6] =	sst s10  }
0x32: {  	s10 =	sld [smem:$0x3FB4];
	_ =	sdelay $0x3  }
0x33: {  	p0 =	seq.s32 s10, $0x1;
	s10 =	sld [smem:$0x3FB6];
	_ =	sdelay $0x3  }
0x34: {  	[smem:$0x3FB6] =	sst s10  }
0x35: {  	s10 =	sld [smem:$0x3FB5];
	_ =	sdelay $0x3  }
0x36: {  	p1 =	seq.s32 s10, $0x1;
	s10 =	sld [smem:$0x3FB6];
	_ =	sdelay $0x3  }
0x37: {  	[smem:$0x3FB6] =	sst s10  }
0x38: {  	s10 =	sld [smem:$0x3FB7]  }
0x39: {  	_ = 	snop;
	(pc) =	sbr.ind lr, $3  }
0x3a: {  	_ = 	snop  }
0x3b: {  	_ = 	snop  }
0x3c: {  	p2 =	seq.s32 s10, $0x1;
	s10 =	sld [smem:$0x3FB6]  }
0x3d: {  	_ =	shalt  }
0x3e: {  	_ =	shalt  }
0x3f: {  	_ =	shalt  }
0x40: {  	_ =	shalt  }
0x41: {  	_ =	shalt  }
0x42: {  	_ =	shalt  }
0x43: {  	_ =	shalt  }
0x44: {  	_ =	shalt  }
0x45: {  	_ =	shalt  }
0x46: {  	_ =	shalt  }
0x47: {  	_ =	shalt  }
0x48: {  	_ =	shalt  }
0x49: {  	_ =	shalt  }
0x4a: {  	_ =	shalt  }
0x4b: {  	_ =	shalt  }
0x4c: {  	_ =	shalt  }
0x4d: {  	_ =	shalt  }
0x4e: {  	_ =	shalt  }
0x4f: {  	_ =	shalt  }
0x50: {  	_ =	shalt  }
0x51: {  	_ =	shalt  }
0x52: {  	_ =	shalt  }
0x53: {  	_ =	shalt  }
0x54: {  	_ =	shalt  }
0x55: {  	_ =	shalt  }
0x56: {  	_ =	shalt  }
0x57: {  	_ =	shalt  }
0x58: {  	_ =	shalt  }
0x59: {  	_ =	shalt  }
0x5a: {  	_ =	shalt  }
0x5b: {  	_ =	shalt  }
0x5c: {  	_ =	shalt  }
0x5d: {  	_ =	shalt  }
0x5e: {  	_ =	shalt  }
0x5f: {  	_ =	shalt  }
0x60: {  	_ =	shalt  }
0x61: {  	_ =	shalt  }
0x62: {  	_ =	shalt  }
0x63: {  	_ =	shalt  }
0x64: {  	_ =	shalt  }
0x65: {  	_ =	shalt  }
0x66: {  	_ =	shalt  }
0x67: {  	_ =	shalt  }
0x68: {  	_ =	shalt  }
0x69: {  	_ =	shalt  }
0x6a: {  	_ =	shalt  }
0x6b: {  	_ =	shalt  }
0x6c: {  	_ =	shalt  }
0x6d: {  	_ =	shalt  }
0x6e: {  	_ =	shalt  }
0x6f: {  	_ =	shalt  }
0x70: {  	_ =	shalt  }
0x71: {  	_ =	shalt  }
0x72: {  	_ =	shalt  }
0x73: {  	_ =	shalt  }
0x74: {  	_ =	shalt  }
0x75: {  	_ =	shalt  }
0x76: {  	_ =	shalt  }
0x77: {  	_ =	shalt  }
0x78: {  	_ =	shalt  }
0x79: {  	_ =	shalt  }
0x7a: {  	_ =	shalt  }
0x7b: {  	_ =	shalt  }
0x7c: {  	_ =	shalt  }
0x7d: {  	_ =	shalt  }
0x7e: {  	_ =	shalt  }
0x7f: {  	_ =	shalt  }
0x80: {  	_ =	shalt  }
0x81: {  	_ =	shalt  }
0x82: {  	_ =	shalt  }
0x83: {  	_ =	shalt  }
0x84: {  	_ =	shalt  }
0x85: {  	_ =	shalt  }
0x86: {  	_ =	shalt  }
0x87: {  	_ =	shalt  }
.Lfunc_end0:
.L_simem_size_0:
called_computation_lowered:
.L_overlay_start_0:
0x88: {  	s2 =	sld [smem:$0x3FD9]  }
0x89: {  	s3 =	sld [smem:$0x3FFE];
	_ =	sdelay $0x1  }
0x8a: {  	s1 =	srdreg.scid  }
0x8b: {  	s0 =	sand.u32 $0x1, s1  }
0x8c: {  	s14 =	sshll.u32 s0, $0xA;
	s2 =	sadd.s32 s3, s2  }
0x8d: {  	s2 =	sadd.s32 s2, s14  }
0x8e: {  	[smem:$0x3FC2] =	sst s2  }
0x8f: {  	_ = 	snop  }
0x90: {  	s2 =	sld [smem:$0x3FD0];
	_ =	sdelay $0x2  }
0x91: {  	s4 =	simm.s32 $0xA;
	s5 =	simm.s32 $0x10;
	s15 =	sld [smem:$0x3FC7]  }
0x92: {  	[smem:s5], [sflag:s4] =	dma.local [hbm:s2], $0x1  }
0x93: {  	_ =	swait.eq [sflag:s4], $0x1  }
0x94: {  	[sflag:s4] =	ssyncset.done $0x0  }
0x95: {  	[sflag:s4] =	ssyncadd.s32 $0xFFFFFFFF  }
0x96: {  	s16 =	sld [smem:$0x13];
	(tm) =	ssettm $0x1  }
0x97: {  	s17 =	sld [smem:$0x3FFB];
	_ =	sdelay $0x3  }
0x98: {  	_ =	strace s17  }
0x99: {  	s4 =	sld [smem:$0x3FFC];
	_ =	sdelay $0x3  }
0x9a: {  	_ =	strace s4  }
0x9b: {  	s4 =	sld [smem:$0x3FFD];
	_ =	sdelay $0x3  }
0x9c: {  	_ =	strace s4  }
0x9d: {  	_ =	strace $0x8FFFFFFF  }
0x9e: {  	s18 =	sld [smem:$0x3FDB];
	_ =	sdelay $0x1  }
0x9f: {  	s19 =	simm.s32 $_scs_section_size  }
0xa0: {  	s6 =	simm.s32 $_size__tile_overlayer_lowered;
	s7 =	simm.s32 $_tile_overlayer_lowered  }
0xa1: {  	s22 =	simm.s32 $0x1BFF;
	s21 =	sshll.u32 s7, $0x1;
	s4 =	sadd.s32 s19, s18  }
0xa2: {  	s8 =	simm.s32 $0x0;
	s20 =	sshll.u32 s6, $0x1;
	s6 =	sadd.s32 s21, s4  }
0xa3: {  	[timem:s8], [sflag:s22] =	dma.local [hbm:s6], s20  }
0xa4: {  	_ =	swait.ge [sflag:s22], s20  }
0xa5: {  	s5 =	ssub.s32 $0x0, s20;
	[sflag:s22] =	ssyncset.done $0x0  }
0xa6: {  	[sflag:s22] =	ssyncadd.s32 s5;
	_ =	sdelay $0x1  }
0xa7: {  	s23 =	simm.s32 $0x1B8B  }
0xa8: {  	_ =	swait.ge [sflag:s23], $0x1  }
0xa9: {  	[sflag:s23] =	ssyncset.done $0x0  }
0xaa: {  	s25 =	simm.s32 $0x1B8E;
	s24 =	sld [smem:$0x3FFE];
	[sflag:s23] =	ssyncadd.s32 $0xFFFFFFFF  }
0xab: {  	s26 =	simm.s32 $execute0_lowered;
	[smem:$0x3FD2] =	sst s25  }
0xac: {  	s6 =	sshll.u32 s26, $0x1;
	_ =	strace $0x80000046;
	[dreg:$0x1] =	wrdreg $0xFFFFFFFF  }
0xad: {  	s28 =	simm.s32 $_size_execute0_lowered;
	s4 =	sadd.s32 s4, s6;
	[dreg:$0x0] =	wrdreg $0x0  }
0xae: {  	s6 =	sshll.u32 s28, $0x1;
	[dreg:$0x2] =	wrdreg s4  }
0xaf: {  	[dreg:$0x3] =	wrdreg s6  }
0xb0: {  	[dreg:$0x4] =	wrdreg $0xC0  }
0xb1: {  	_ =	task [dreg:s8], $0x5FFFF  }
0xb2: {  	[dreg:$0x1] =	wrdreg $0xFFFFFFFF  }
0xb3: {  	[dreg:$0x0] =	wrdreg $0x60  }
0xb4: {  	[dreg:$0x2] =	wrdreg s16  }
0xb5: {  	[dreg:$0x3] =	wrdreg s15  }
0xb6: {  	[dreg:$0x4] =	wrdreg s24  }
0xb7: {  	[dreg:$0x5] =	wrdreg $0x9  }
0xb8: {  	_ =	task.clear_ibuf [dreg:s8], $0x6FFFF;
	_ =	strace $0x90000046  }
0xb9: {  	s29 =	simm.s32 $0x9;
	_ =	strace $0x80000048  }
0xba: {  	_ =	swait.ge [sflag:s29], $0x1  }
0xbb: {  	[sflag:s29] =	ssyncadd.s32 $0xFFFFFFFF  }
0xbc: {  	_ =	strace $0x90000048  }
0xbd: {  	_ =	sfence  }
0xbe: {  	s30 =	sld [smem:$0x0];
	_ =	sdelay $0x2  }
0xbf: {  	s31 =	sshll.u32 s1, $0xD;
	s1 =	sshrl.u32 s1, $0x2  }
0xc0: {  	s3 =	sand.u32 $0x4000, s31;
	s1 =	sadd.s32 s1, s30  }
0xc1: {  	s0 =	sor.u32 s3, s0;
	s1 =	sshll.u32 s1, $0x11  }
0xc2: {  	s0 =	sor.u32 s1, s0  }
0xc3: {  	s0 =	sadd.s32 $0x8F2B, s0  }
0xc4: {  	[sflag:s0] =	ssyncadd.remote.s32 $0x1  }
0xc5: {  	_ =	sfence.sel $0xFFFF  }
0xc6: {  	[dreg:$0x0] =	wrdreg $0xFFFFFFFF;
	(pc) =	sbr.abs _section_cstart, $3  }
0xc7: {  	[dreg:$0x1] =	wrdreg $0xFFFFFFFF  }
0xc8: {  	_ =	task.clear_ibuf [dreg:s8], $0x2FFFF;
	_ =	strace $0x9FFFFFFF  }
0xc9: {  	(tm) =	ssettm $0x7FFFFFFF  }
tec
execute0_lowered:
.L_overlay_start_1:
0x0: {  	(tag) =	ssettag $0x1  }
0x1: {  	s1 =	stileid.u32  }
0x2: {  	p0 =	sgt.u32 s1, $0x3  }
.Ltmp0:
0x3: {  	s4 =	rddreg [dreg:$0x0];
	(pc) =	sbr.rel @p0 .LBB2_4-.Ltmp0, $4  }
0x4: {  	s2 =	rddreg [dreg:$0x1]  }
0x5: {  	s9 =	rddreg [dreg:$0x2];
	s3 =	simm.s32 $0x0  }
0x6: {  	[smem:$0x7FF] =	sst s3  }
0x7: {  	s0 =	rddreg [dreg:$0x3];
	_ =	strace $0x80000047  }
0x8: {  	s5 =	srdreg.scid  }
0x9: {  	s30 =	sshll.u32 s1, $0x1;
	s7 =	sand.u32 $0x1, s5  }
0xa: {  	s10 =	sor.u32 s7, s30  }
0xb: {  	s5 =	sshll.u32 s10, $0x1  }
0xc: {  	s5 =	sadd.s32 s4, s5;
	s4 =	simm.s32 $0x2  }
0xd: {  	[tilespmem:s3], [sflag:$0x2] =	stream.linear.gather [hbm4b:s5+s3], $0x10, $0x38;
	[tilespmem:$0x1080] =	vst v63  }
0xe: {  	_ =	swait.ge [sflag:s4], $0x10  }
0xf: {  	[sflag:s4] =	ssyncset.done $0x0  }
0x10: {  	[sflag:s4] =	ssyncadd.s32 $0xFFFFFFF0  }
0x11: {  	v0 =	vld [tilespmem:$0x0];
	_ =	sdelay $0x4  }
0x12: {  	v1 =	vshll.u32 v0, $0x1  }
0x13: {  	v2 =	vlaneseq.u32;
	v3 =	vand.u32 $0x7, v0;
	v1 =	vand.u32 $0xFFFFFFF0, v1  }
0x14: {  	v4 =	vshrl.u32 v2, $0x3;
	v0 =	vand.u32 $0x7, v2;
	v3 =	vor.u32 v3, v1  }
0x15: {  	v1 =	vmul.u32 $0x8, v4;
	v63 =	vperm.xlane v3, v0  }
0x16: {  	v2 =	vor.u32 $0x8, v2  }
0x17: {  	v3 =	vperm.xlane v3, v2;
	v4 =	vadd.s32 v1, v63;
	_ =	sdelay $0x1  }
0x18: {  	s11 =	ssub.s32 $0x2, s7;
	v3 =	vadd.s32 v1, v3  }
0x19: {  	s6 =	simm.s32 $0x80;
	s12 =	sshrl.u32 s11, $0x1  }
0x1a: {  	vm0 =	vmmov $0xffff;
	s8 =	simm.s32 $0x1;
	s10 =	sshll.u32 s10, $0x9;
	s31 =	ssub.s32 s11, s12  }
0x1b: {  	[tilespmem:s6], [sflag:$0x1] =	stream.indirect_vreg.gather [hbm4b:s2+s3], $0x80, v4, vm0, $0xb8;
	[tilespmem:$0x1080] =	vst v63  }
0x1c: {  	s7 =	simm.s32 $0x880;
	s9 =	sadd.s32 s10, s9;
	s10 =	smax.u32 s31, $0x1  }
0x1d: {  	[tilespmem:s7], [sflag:$0x1] =	stream.indirect_vreg.gather [hbm4b:s2+s3], $0x80, v3, vm0, $0xb8;
	[tilespmem:$0x1080] =	vst v63  }
0x1e: {  	p0 =	sne.s32 s10, $0x1;
	_ =	swait.ge [sflag:s8], $0x1000  }
.Ltmp1:
0x1f: {  	[sflag:s8] =	ssyncset.done $0x0;
	(pc) =	sbr.rel @!p0 .LBB2_3-.Ltmp1, $4  }
0x20: {  	s9 =	sadd.s32 $0xC00, s9;
	[sflag:s8] =	ssyncadd.s32 $0xFFFFF000  }
0x21: {  	[hbm4b:s9+s3] =	stream.linear.scatter [tilespmem:s6], [sflag:$0x2], $0x1000, $0x38;
	[tilespmem:$0x1080] =	vst v63  }
0x22: {  	_ =	swait.ge [sflag:s4], $0x1000  }
0x23: {  	s10 =	sadd.s32 $0xFFFFFFFF, s10;
	[sflag:s4] =	ssyncset.done $0x0  }
.LBB2_2:
0x24: {  	p0 =	sne.s32 s10, $0x1;
	s10 =	sadd.s32 $0xFFFFFFFF, s10;
	[sflag:s4] =	ssyncadd.s32 $0xFFFFF000  }
0x25: {  	[tilespmem:s3], [sflag:$0x2] =	stream.linear.gather [hbm4b:s5+s3], $0x10, $0x38;
	[tilespmem:$0x1080] =	vst v63  }
0x26: {  	_ =	swait.ge [sflag:s4], $0x10  }
0x27: {  	[sflag:s4] =	ssyncset.done $0x0  }
0x28: {  	[sflag:s4] =	ssyncadd.s32 $0xFFFFFFF0  }
0x29: {  	v3 =	vld [tilespmem:$0x0];
	_ =	sdelay $0x4  }
0x2a: {  	v4 =	vshll.u32 v3, $0x1  }
0x2b: {  	v3 =	vand.u32 $0x7, v3;
	v4 =	vand.u32 $0xFFFFFFF0, v4  }
0x2c: {  	v3 =	vor.u32 v3, v4  }
0x2d: {  	v4 =	vperm.xlane v3, v0;
	v3 =	vperm.xlane v3, v2;
	_ =	sdelay $0x1  }
0x2e: {  	v4 =	vadd.s32 v1, v4;
	_ =	sdelay $0x1  }
0x2f: {  	v3 =	vadd.s32 v1, v3;
	_ =	sdelay $0x2  }
0x30: {  	[tilespmem:s6], [sflag:$0x1] =	stream.indirect_vreg.gather [hbm4b:s2+s3], $0x80, v4, vm0, $0xb8;
	[tilespmem:$0x1080] =	vst v63  }
0x31: {  	_ = 	snop  }
0x32: {  	[tilespmem:s7], [sflag:$0x1] =	stream.indirect_vreg.gather [hbm4b:s2+s3], $0x80, v3, vm0, $0xb8;
	[tilespmem:$0x1080] =	vst v63  }
0x33: {  	_ =	swait.ge [sflag:s8], $0x1000  }
.Ltmp2:
0x34: {  	[sflag:s8] =	ssyncset.done $0x0;
	(pc) =	sbr.rel @p0 .LBB2_2-.Ltmp2, $4  }
0x35: {  	[sflag:s8] =	ssyncadd.s32 $0xFFFFF000  }
0x36: {  	[hbm4b:s9+s3] =	stream.linear.scatter [tilespmem:s6], [sflag:$0x2], $0x1000, $0x38;
	[tilespmem:$0x1080] =	vst v63  }
0x37: {  	_ =	swait.ge [sflag:s4], $0x1000  }
0x38: {  	[sflag:s4] =	ssyncset.done $0x0  }
.LBB2_3:
0x39: {  	[sflag:s4] =	ssyncadd.s32 $0xFFFFF000  }
.LBB2_4:
0x3a: {  	_ =	sfence.sel $0x180000  }
0x3b: {  	[bflag:$0x0] =	sbarrier.arrive $0xFFFF  }
0x3c: {  	p0 =	sne.s32 s1, $0x0;
	_ =	strace $0x90000047  }
0x3d: {  	s0 =	sadd.s32 @!p0 $0x100000, s0;
	[bflag:$0x2] =	sbarrier.arrive $0xFFFF  }
0x3e: {  	[sflag:s0] =	ssyncadd.tile.s32 @!p0 $0x1;
	_ =	shalt  }
.Lfunc_end2:
_tile_overlayer_lowered:
.L_overlay_start_2:
0x3f: {  	(tag) =	ssettag $0x2  }
0x40: {  	s0 =	rddreg [dreg:$0x0];
	s2 =	stileid.u32  }
0x41: {  	s1 =	rddreg [dreg:$0x1];
	p0 =	sne.s32 s2, $0x0  }
0x42: {  	s3 =	rddreg [dreg:$0x2];
	[bflag:$0x3] =	sbarrier.arrive $0xFFFF;
	s2 =	simm.s32 @!p0 $0x1C02  }
0x43: {  	[timem:s3], [sflag:s2] =	dma.local @!p0 [hbm:s0], s1  }
0x44: {  	s0 =	simm.s32 @!p0 $0x2  }
0x45: {  	_ =	swait.ge @!p0 [sflag:s0], s1  }
0x46: {  	s1 =	ssub.s32 @!p0 $0x0, s1;
	[sflag:s0] =	ssyncset.done @!p0 $0x0  }
0x47: {  	[sflag:s0] =	ssyncadd.s32 @!p0 s1  }
0x48: {  	[bflag:$0x3] =	sbarrier.arrive $0xFFFF  }
0x49: {  	_ =	shalt  }

</sc_bundles>
